<compile_context>
chip_gen: v7x
topology: tpu7x:2x2x1
jax: 0.10.2.dev20260603
libtpu: 0.0.44.dev20260713+nightly
codegen_flags: <defaults>
</compile_context>

<pallas_src>
import functools

import jax
import jax.numpy as jnp
from jax import lax
from jax.experimental import pallas as pl
from jax.experimental.pallas import tpu as pltpu
from jax.experimental.pallas import tpu_sc as plsc

BATCH = 4096
HIST = 200
FEAT = 32

NUM_CORES = 2
NUM_SUBCORES = 16
NW = NUM_CORES * NUM_SUBCORES
B_PER_W = BATCH // NW
NBUF = 8
LANES = 16
FTILE = 8
NFT = FEAT // FTILE


def _embed_kernel(idx_hbm, table_hbm, out_hbm, idx_tv, bufs, obufs, gsem, osem):
    wid = lax.axis_index("s") * NUM_CORES + lax.axis_index("c")
    b0 = wid * B_PER_W
    pltpu.sync_copy(idx_hbm.at[:, pl.ds(b0, B_PER_W)], idx_tv)

    lane_iota = lax.iota(jnp.int32, LANES)

    def gather(t, s):
        return pltpu.make_async_copy(
            table_hbm.at[idx_tv.at[t]], bufs.at[s], gsem.at[s]
        )

    def out_copy(t, s):
        return pltpu.make_async_copy(
            obufs.at[s], out_hbm.at[t, :, wid], osem.at[s]
        )

    for t in range(NBUF - 1):
        gather(t, t).start()

    def body(t, carry):
        s = t % NBUF
        s_ids = jnp.full((LANES,), s, jnp.int32)

        @pl.when(t + NBUF - 1 < HIST)
        def _():
            gather(t + NBUF - 1, (t + NBUF - 1) % NBUF).start()

        gather(t, s).wait()

        @pl.when(t >= NBUF)
        def _():
            out_copy(t - NBUF, s).wait()

        kgroups = B_PER_W // LANES

        @plsc.parallel_loop(0, FEAT * kgroups, unroll=32)
        def _(i):
            f = i // kgroups
            k = i % kgroups
            v = plsc.load_gather(
                bufs,
                [s_ids, k * LANES + lane_iota, jnp.full((LANES,), f, jnp.int32)],
            )
            obufs[s, f // FTILE, f % FTILE, pl.ds(k * LANES, LANES)] = v

        out_copy(t, s).start()
        return carry

    lax.fori_loop(0, HIST, body, None)
    for t in range(HIST - NBUF, HIST):
        out_copy(t, t % NBUF).wait()


@jax.jit
def _embed(idx_t, table):
    k = functools.partial(
        pl.kernel,
        mesh=plsc.VectorSubcoreMesh(core_axis_name="c", subcore_axis_name="s"),
        out_type=jax.ShapeDtypeStruct(
            (HIST, NFT, NW, FTILE, 128), jnp.float32
        ),
        scratch_types=[
            pltpu.VMEM((HIST, B_PER_W), jnp.int32),
            pltpu.VMEM((NBUF, B_PER_W, FEAT), jnp.float32),
            pltpu.VMEM((NBUF, NFT, FTILE, B_PER_W), jnp.float32),
            pltpu.SemaphoreType.DMA((NBUF,)),
            pltpu.SemaphoreType.DMA((NBUF,)),
        ],
        compiler_params=pltpu.CompilerParams(
            use_tc_tiling_on_sc=False, needs_layout_passes=False
        ),
    )(_embed_kernel)
    return k(idx_t, table)


def kernel(inputs, embedding):
    out4 = _embed(inputs.T.astype(jnp.int32), embedding)
    return jnp.reshape(jnp.transpose(out4, (2, 4, 0, 1, 3)), (BATCH, HIST, FEAT))

# --- scband reference (transcript-rebuilt; emitter-appended) ---
"""Pipeline reference for scband-embed-4664334484034 (READ-ONLY COPY).

The authoritative reference and input builder live on the scoring server;
editing this copy changes nothing except your own understanding.
"""

import jax, jax.numpy as jnp
import numpy as np

NUM_EMBEDDINGS = 1000000
FEATURES = 32
BATCH = 4096
HIST_LEN = 200


def setup_inputs(seed: int = 0) -> dict:
    key = jax.random.key(seed)
    k_idx, k_emb = jax.random.split(key)
    inputs = jax.random.randint(k_idx, (BATCH, HIST_LEN), 0, NUM_EMBEDDINGS, dtype=jnp.int64)
    # learned parameter: embedding table, normal(stddev=1.0) per emb_init default
    embedding = jax.random.normal(k_emb, (NUM_EMBEDDINGS, FEATURES), dtype=jnp.float32) * 1.0
    return {"inputs": inputs, "embedding": embedding}


def reference(inputs, embedding):
    # mode == 'input': gather rows of the embedding table
    return jnp.take(embedding, inputs, axis=0)

if __name__ == "__main__":
    import jax
    _d = setup_inputs()
    print(jax.jit(kernel)(*tuple(_d.values())))

</pallas_src>

<mosaic_0001>
#map = affine_map<(d0, d1) -> (0, 0)>
#map1 = affine_map<(d0, d1) -> (0, 0, 0, 0, 0)>
module attributes {stable_mosaic.version = 14 : i64} {
  func.func @_embed_kernel(%arg0: i32, %arg1: i32, %arg2: memref<200x4096xi32, #tpu.memory_space<hbm>>, %arg3: memref<1000000x32xf32, #tpu.memory_space<hbm>>, %arg4: memref<200x4x32x8x128xf32, #tpu.memory_space<hbm>>, %arg5: memref<200x128xi32, #tpu.memory_space<vmem>>, %arg6: memref<8x128x32xf32, #tpu.memory_space<vmem>>, %arg7: memref<8x4x8x128xf32, #tpu.memory_space<vmem>>, %arg8: memref<8x!tpu.dma_semaphore, #tpu.memory_space<semaphore_mem>>, %arg9: memref<8x!tpu.dma_semaphore, #tpu.memory_space<semaphore_mem>>) attributes {dimension_semantics = [#tpu.dimension_semantics<core_parallel>, #tpu.dimension_semantics<subcore_parallel>], iteration_bounds = array<i64: 2, 16>, scalar_prefetch = 0 : i64, scratch_operands = 5 : i64, tpu.core_type = #tpu.core_type<sc_vector_subcore>, window_params = [{transform_indices = #map}, {transform_indices = #map}, {transform_indices = #map1}]} {
    %mul3A = arith.constant 2 : i32
    %mul3A_0 = arith.muli %arg1, %mul3A : i32
    %add3A = arith.addi %mul3A_0, %arg0 : i32
    %mul3A_1 = arith.constant 128 : i32
    %mul3A_2 = arith.muli %add3A, %mul3A_1 : i32
    "tpu.region"() ({
      %run_scoped3A = tpu.sem_alloc : memref<!tpu.dma_semaphore, #tpu.memory_space<semaphore_mem>>
      %dma_start3A_310 = arith.constant 0 : i32
      %dma_start3A_311 = tpu.memref_slice %arg2[%dma_start3A_310, %mul3A_2] : memref<200x4096xi32, #tpu.memory_space<hbm>> -> memref<200x128xi32, #tpu.memory_space<hbm>>
      %dma_start3A_312 = arith.constant 0 : i32
      %dma_start3A_313 = tpu.memref_slice %arg2[%dma_start3A_312, %mul3A_2] : memref<200x4096xi32, #tpu.memory_space<hbm>> -> memref<200x128xi32, #tpu.memory_space<hbm>>
      tpu.enqueue_dma source(%dma_start3A_313 : memref<200x128xi32, #tpu.memory_space<hbm>>) target(%arg5 : memref<200x128xi32, #tpu.memory_space<vmem>>) target_semaphore(%run_scoped3A : memref<!tpu.dma_semaphore, #tpu.memory_space<semaphore_mem>>)
      %dma_wait3A_314 = arith.constant 0 : i32
      %dma_wait3A_315 = tpu.memref_slice %arg2[%dma_wait3A_314, %mul3A_2] : memref<200x4096xi32, #tpu.memory_space<hbm>> -> memref<200x128xi32, #tpu.memory_space<hbm>>
      %dma_wait3A_316 = arith.constant 0 : i32
      %dma_wait3A_317 = tpu.memref_slice %arg2[%dma_wait3A_316, %mul3A_2] : memref<200x4096xi32, #tpu.memory_space<hbm>> -> memref<200x128xi32, #tpu.memory_space<hbm>>
      tpu.wait_dma2 semaphore(%run_scoped3A : memref<!tpu.dma_semaphore, #tpu.memory_space<semaphore_mem>>) src(%dma_wait3A_317 : memref<200x128xi32, #tpu.memory_space<hbm>>) dst(%arg5 : memref<200x128xi32, #tpu.memory_space<vmem>>)
      tpu.yield
    }) : () -> ()
    %iota3A = tpu.iota {dimensions = array<i32: 0>} : vector<16xi32>
    %dma_start3A = arith.constant 0 : i32
    %dma_start3A_3 = arith.constant 0 : i32
    %dma_start3A_4 = arith.constant 0 : i32
    %dma_start3A_5 = arith.constant 0 : i32
    %dma_start3A_6 = arith.constant 0 : i32
    %dma_start3A_7 = tpu.memref_slice %arg6[%dma_start3A_3, %dma_start3A_5, %dma_start3A_6] : memref<8x128x32xf32, #tpu.memory_space<vmem>> -> memref<1x128x32xf32, #tpu.memory_space<vmem>>
    %dma_start3A_8 = tpu.memref_squeeze %dma_start3A_7 : memref<1x128x32xf32, #tpu.memory_space<vmem>> -> memref<128x32xf32, #tpu.memory_space<vmem>>
    %dma_start3A_9 = arith.constant 0 : i32
    %dma_start3A_10 = tpu.memref_slice %arg5[%dma_start3A, %dma_start3A_9] : memref<200x128xi32, #tpu.memory_space<vmem>> -> memref<1x128xi32, #tpu.memory_space<vmem>>
    %dma_start3A_11 = tpu.memref_squeeze %dma_start3A_10 : memref<1x128xi32, #tpu.memory_space<vmem>> -> memref<128xi32, #tpu.memory_space<vmem>>
    %dma_start3A_12 = arith.constant 0 : i32
    %dma_start3A_13 = arith.constant 0 : i32
    %dma_start3A_14 = tpu.memref_slice %arg3[%dma_start3A_12, %dma_start3A_13] : memref<1000000x32xf32, #tpu.memory_space<hbm>> -> memref<1000000x32xf32, #tpu.memory_space<hbm>>
    %dma_start3A_15 = tpu.memref_slice %arg8[%dma_start3A_4] : memref<8x!tpu.dma_semaphore, #tpu.memory_space<semaphore_mem>> -> memref<1x!tpu.dma_semaphore, #tpu.memory_space<semaphore_mem>>
    %dma_start3A_16 = tpu.memref_squeeze %dma_start3A_15 : memref<1x!tpu.dma_semaphore, #tpu.memory_space<semaphore_mem>> -> memref<!tpu.dma_semaphore, #tpu.memory_space<semaphore_mem>>
    tpu.enqueue_indirect_dma source(%dma_start3A_14 : memref<1000000x32xf32, #tpu.memory_space<hbm>>) target(%dma_start3A_8 : memref<128x32xf32, #tpu.memory_space<vmem>>) offsets(%dma_start3A_11 : memref<128xi32, #tpu.memory_space<vmem>>) semaphore(%dma_start3A_16 : memref<!tpu.dma_semaphore, #tpu.memory_space<semaphore_mem>>)
    %dma_start3A_17 = arith.constant 1 : i32
    %dma_start3A_18 = arith.constant 1 : i32
    %dma_start3A_19 = arith.constant 1 : i32
    %dma_start3A_20 = arith.constant 0 : i32
    %dma_start3A_21 = arith.constant 0 : i32
    %dma_start3A_22 = tpu.memref_slice %arg6[%dma_start3A_18, %dma_start3A_20, %dma_start3A_21] : memref<8x128x32xf32, #tpu.memory_space<vmem>> -> memref<1x128x32xf32, #tpu.memory_space<vmem>>
    %dma_start3A_23 = tpu.memref_squeeze %dma_start3A_22 : memref<1x128x32xf32, #tpu.memory_space<vmem>> -> memref<128x32xf32, #tpu.memory_space<vmem>>
    %dma_start3A_24 = arith.constant 0 : i32
    %dma_start3A_25 = tpu.memref_slice %arg5[%dma_start3A_17, %dma_start3A_24] : memref<200x128xi32, #tpu.memory_space<vmem>> -> memref<1x128xi32, #tpu.memory_space<vmem>>
    %dma_start3A_26 = tpu.memref_squeeze %dma_start3A_25 : memref<1x128xi32, #tpu.memory_space<vmem>> -> memref<128xi32, #tpu.memory_space<vmem>>
    %dma_start3A_27 = arith.constant 0 : i32
    %dma_start3A_28 = arith.constant 0 : i32
    %dma_start3A_29 = tpu.memref_slice %arg3[%dma_start3A_27, %dma_start3A_28] : memref<1000000x32xf32, #tpu.memory_space<hbm>> -> memref<1000000x32xf32, #tpu.memory_space<hbm>>
    %dma_start3A_30 = tpu.memref_slice %arg8[%dma_start3A_19] : memref<8x!tpu.dma_semaphore, #tpu.memory_space<semaphore_mem>> -> memref<1x!tpu.dma_semaphore, #tpu.memory_space<semaphore_mem>>
    %dma_start3A_31 = tpu.memref_squeeze %dma_start3A_30 : memref<1x!tpu.dma_semaphore, #tpu.memory_space<semaphore_mem>> -> memref<!tpu.dma_semaphore, #tpu.memory_space<semaphore_mem>>
    tpu.enqueue_indirect_dma source(%dma_start3A_29 : memref<1000000x32xf32, #tpu.memory_space<hbm>>) target(%dma_start3A_23 : memref<128x32xf32, #tpu.memory_space<vmem>>) offsets(%dma_start3A_26 : memref<128xi32, #tpu.memory_space<vmem>>) semaphore(%dma_start3A_31 : memref<!tpu.dma_semaphore, #tpu.memory_space<semaphore_mem>>)
    %dma_start3A_32 = arith.constant 2 : i32
    %dma_start3A_33 = arith.constant 2 : i32
    %dma_start3A_34 = arith.constant 2 : i32
    %dma_start3A_35 = arith.constant 0 : i32
    %dma_start3A_36 = arith.constant 0 : i32
    %dma_start3A_37 = tpu.memref_slice %arg6[%dma_start3A_33, %dma_start3A_35, %dma_start3A_36] : memref<8x128x32xf32, #tpu.memory_space<vmem>> -> memref<1x128x32xf32, #tpu.memory_space<vmem>>
    %dma_start3A_38 = tpu.memref_squeeze %dma_start3A_37 : memref<1x128x32xf32, #tpu.memory_space<vmem>> -> memref<128x32xf32, #tpu.memory_space<vmem>>
    %dma_start3A_39 = arith.constant 0 : i32
    %dma_start3A_40 = tpu.memref_slice %arg5[%dma_start3A_32, %dma_start3A_39] : memref<200x128xi32, #tpu.memory_space<vmem>> -> memref<1x128xi32, #tpu.memory_space<vmem>>
    %dma_start3A_41 = tpu.memref_squeeze %dma_start3A_40 : memref<1x128xi32, #tpu.memory_space<vmem>> -> memref<128xi32, #tpu.memory_space<vmem>>
    %dma_start3A_42 = arith.constant 0 : i32
    %dma_start3A_43 = arith.constant 0 : i32
    %dma_start3A_44 = tpu.memref_slice %arg3[%dma_start3A_42, %dma_start3A_43] : memref<1000000x32xf32, #tpu.memory_space<hbm>> -> memref<1000000x32xf32, #tpu.memory_space<hbm>>
    %dma_start3A_45 = tpu.memref_slice %arg8[%dma_start3A_34] : memref<8x!tpu.dma_semaphore, #tpu.memory_space<semaphore_mem>> -> memref<1x!tpu.dma_semaphore, #tpu.memory_space<semaphore_mem>>
    %dma_start3A_46 = tpu.memref_squeeze %dma_start3A_45 : memref<1x!tpu.dma_semaphore, #tpu.memory_space<semaphore_mem>> -> memref<!tpu.dma_semaphore, #tpu.memory_space<semaphore_mem>>
    tpu.enqueue_indirect_dma source(%dma_start3A_44 : memref<1000000x32xf32, #tpu.memory_space<hbm>>) target(%dma_start3A_38 : memref<128x32xf32, #tpu.memory_space<vmem>>) offsets(%dma_start3A_41 : memref<128xi32, #tpu.memory_space<vmem>>) semaphore(%dma_start3A_46 : memref<!tpu.dma_semaphore, #tpu.memory_space<semaphore_mem>>)
    %dma_start3A_47 = arith.constant 3 : i32
    %dma_start3A_48 = arith.constant 3 : i32
    %dma_start3A_49 = arith.constant 3 : i32
    %dma_start3A_50 = arith.constant 0 : i32
    %dma_start3A_51 = arith.constant 0 : i32
    %dma_start3A_52 = tpu.memref_slice %arg6[%dma_start3A_48, %dma_start3A_50, %dma_start3A_51] : memref<8x128x32xf32, #tpu.memory_space<vmem>> -> memref<1x128x32xf32, #tpu.memory_space<vmem>>
    %dma_start3A_53 = tpu.memref_squeeze %dma_start3A_52 : memref<1x128x32xf32, #tpu.memory_space<vmem>> -> memref<128x32xf32, #tpu.memory_space<vmem>>
    %dma_start3A_54 = arith.constant 0 : i32
    %dma_start3A_55 = tpu.memref_slice %arg5[%dma_start3A_47, %dma_start3A_54] : memref<200x128xi32, #tpu.memory_space<vmem>> -> memref<1x128xi32, #tpu.memory_space<vmem>>
    %dma_start3A_56 = tpu.memref_squeeze %dma_start3A_55 : memref<1x128xi32, #tpu.memory_space<vmem>> -> memref<128xi32, #tpu.memory_space<vmem>>
    %dma_start3A_57 = arith.constant 0 : i32
    %dma_start3A_58 = arith.constant 0 : i32
    %dma_start3A_59 = tpu.memref_slice %arg3[%dma_start3A_57, %dma_start3A_58] : memref<1000000x32xf32, #tpu.memory_space<hbm>> -> memref<1000000x32xf32, #tpu.memory_space<hbm>>
    %dma_start3A_60 = tpu.memref_slice %arg8[%dma_start3A_49] : memref<8x!tpu.dma_semaphore, #tpu.memory_space<semaphore_mem>> -> memref<1x!tpu.dma_semaphore, #tpu.memory_space<semaphore_mem>>
    %dma_start3A_61 = tpu.memref_squeeze %dma_start3A_60 : memref<1x!tpu.dma_semaphore, #tpu.memory_space<semaphore_mem>> -> memref<!tpu.dma_semaphore, #tpu.memory_space<semaphore_mem>>
    tpu.enqueue_indirect_dma source(%dma_start3A_59 : memref<1000000x32xf32, #tpu.memory_space<hbm>>) target(%dma_start3A_53 : memref<128x32xf32, #tpu.memory_space<vmem>>) offsets(%dma_start3A_56 : memref<128xi32, #tpu.memory_space<vmem>>) semaphore(%dma_start3A_61 : memref<!tpu.dma_semaphore, #tpu.memory_space<semaphore_mem>>)
    %dma_start3A_62 = arith.constant 4 : i32
    %dma_start3A_63 = arith.constant 4 : i32
    %dma_start3A_64 = arith.constant 4 : i32
    %dma_start3A_65 = arith.constant 0 : i32
    %dma_start3A_66 = arith.constant 0 : i32
    %dma_start3A_67 = tpu.memref_slice %arg6[%dma_start3A_63, %dma_start3A_65, %dma_start3A_66] : memref<8x128x32xf32, #tpu.memory_space<vmem>> -> memref<1x128x32xf32, #tpu.memory_space<vmem>>
    %dma_start3A_68 = tpu.memref_squeeze %dma_start3A_67 : memref<1x128x32xf32, #tpu.memory_space<vmem>> -> memref<128x32xf32, #tpu.memory_space<vmem>>
    %dma_start3A_69 = arith.constant 0 : i32
    %dma_start3A_70 = tpu.memref_slice %arg5[%dma_start3A_62, %dma_start3A_69] : memref<200x128xi32, #tpu.memory_space<vmem>> -> memref<1x128xi32, #tpu.memory_space<vmem>>
    %dma_start3A_71 = tpu.memref_squeeze %dma_start3A_70 : memref<1x128xi32, #tpu.memory_space<vmem>> -> memref<128xi32, #tpu.memory_space<vmem>>
    %dma_start3A_72 = arith.constant 0 : i32
    %dma_start3A_73 = arith.constant 0 : i32
    %dma_start3A_74 = tpu.memref_slice %arg3[%dma_start3A_72, %dma_start3A_73] : memref<1000000x32xf32, #tpu.memory_space<hbm>> -> memref<1000000x32xf32, #tpu.memory_space<hbm>>
    %dma_start3A_75 = tpu.memref_slice %arg8[%dma_start3A_64] : memref<8x!tpu.dma_semaphore, #tpu.memory_space<semaphore_mem>> -> memref<1x!tpu.dma_semaphore, #tpu.memory_space<semaphore_mem>>
    %dma_start3A_76 = tpu.memref_squeeze %dma_start3A_75 : memref<1x!tpu.dma_semaphore, #tpu.memory_space<semaphore_mem>> -> memref<!tpu.dma_semaphore, #tpu.memory_space<semaphore_mem>>
    tpu.enqueue_indirect_dma source(%dma_start3A_74 : memref<1000000x32xf32, #tpu.memory_space<hbm>>) target(%dma_start3A_68 : memref<128x32xf32, #tpu.memory_space<vmem>>) offsets(%dma_start3A_71 : memref<128xi32, #tpu.memory_space<vmem>>) semaphore(%dma_start3A_76 : memref<!tpu.dma_semaphore, #tpu.memory_space<semaphore_mem>>)
    %dma_start3A_77 = arith.constant 5 : i32
    %dma_start3A_78 = arith.constant 5 : i32
    %dma_start3A_79 = arith.constant 5 : i32
    %dma_start3A_80 = arith.constant 0 : i32
    %dma_start3A_81 = arith.constant 0 : i32
    %dma_start3A_82 = tpu.memref_slice %arg6[%dma_start3A_78, %dma_start3A_80, %dma_start3A_81] : memref<8x128x32xf32, #tpu.memory_space<vmem>> -> memref<1x128x32xf32, #tpu.memory_space<vmem>>
    %dma_start3A_83 = tpu.memref_squeeze %dma_start3A_82 : memref<1x128x32xf32, #tpu.memory_space<vmem>> -> memref<128x32xf32, #tpu.memory_space<vmem>>
    %dma_start3A_84 = arith.constant 0 : i32
    %dma_start3A_85 = tpu.memref_slice %arg5[%dma_start3A_77, %dma_start3A_84] : memref<200x128xi32, #tpu.memory_space<vmem>> -> memref<1x128xi32, #tpu.memory_space<vmem>>
    %dma_start3A_86 = tpu.memref_squeeze %dma_start3A_85 : memref<1x128xi32, #tpu.memory_space<vmem>> -> memref<128xi32, #tpu.memory_space<vmem>>
    %dma_start3A_87 = arith.constant 0 : i32
    %dma_start3A_88 = arith.constant 0 : i32
    %dma_start3A_89 = tpu.memref_slice %arg3[%dma_start3A_87, %dma_start3A_88] : memref<1000000x32xf32, #tpu.memory_space<hbm>> -> memref<1000000x32xf32, #tpu.memory_space<hbm>>
    %dma_start3A_90 = tpu.memref_slice %arg8[%dma_start3A_79] : memref<8x!tpu.dma_semaphore, #tpu.memory_space<semaphore_mem>> -> memref<1x!tpu.dma_semaphore, #tpu.memory_space<semaphore_mem>>
    %dma_start3A_91 = tpu.memref_squeeze %dma_start3A_90 : memref<1x!tpu.dma_semaphore, #tpu.memory_space<semaphore_mem>> -> memref<!tpu.dma_semaphore, #tpu.memory_space<semaphore_mem>>
    tpu.enqueue_indirect_dma source(%dma_start3A_89 : memref<1000000x32xf32, #tpu.memory_space<hbm>>) target(%dma_start3A_83 : memref<128x32xf32, #tpu.memory_space<vmem>>) offsets(%dma_start3A_86 : memref<128xi32, #tpu.memory_space<vmem>>) semaphore(%dma_start3A_91 : memref<!tpu.dma_semaphore, #tpu.memory_space<semaphore_mem>>)
    %dma_start3A_92 = arith.constant 6 : i32
    %dma_start3A_93 = arith.constant 6 : i32
    %dma_start3A_94 = arith.constant 6 : i32
    %dma_start3A_95 = arith.constant 0 : i32
    %dma_start3A_96 = arith.constant 0 : i32
    %dma_start3A_97 = tpu.memref_slice %arg6[%dma_start3A_93, %dma_start3A_95, %dma_start3A_96] : memref<8x128x32xf32, #tpu.memory_space<vmem>> -> memref<1x128x32xf32, #tpu.memory_space<vmem>>
    %dma_start3A_98 = tpu.memref_squeeze %dma_start3A_97 : memref<1x128x32xf32, #tpu.memory_space<vmem>> -> memref<128x32xf32, #tpu.memory_space<vmem>>
    %dma_start3A_99 = arith.constant 0 : i32
    %dma_start3A_100 = tpu.memref_slice %arg5[%dma_start3A_92, %dma_start3A_99] : memref<200x128xi32, #tpu.memory_space<vmem>> -> memref<1x128xi32, #tpu.memory_space<vmem>>
    %dma_start3A_101 = tpu.memref_squeeze %dma_start3A_100 : memref<1x128xi32, #tpu.memory_space<vmem>> -> memref<128xi32, #tpu.memory_space<vmem>>
    %dma_start3A_102 = arith.constant 0 : i32
    %dma_start3A_103 = arith.constant 0 : i32
    %dma_start3A_104 = tpu.memref_slice %arg3[%dma_start3A_102, %dma_start3A_103] : memref<1000000x32xf32, #tpu.memory_space<hbm>> -> memref<1000000x32xf32, #tpu.memory_space<hbm>>
    %dma_start3A_105 = tpu.memref_slice %arg8[%dma_start3A_94] : memref<8x!tpu.dma_semaphore, #tpu.memory_space<semaphore_mem>> -> memref<1x!tpu.dma_semaphore, #tpu.memory_space<semaphore_mem>>
    %dma_start3A_106 = tpu.memref_squeeze %dma_start3A_105 : memref<1x!tpu.dma_semaphore, #tpu.memory_space<semaphore_mem>> -> memref<!tpu.dma_semaphore, #tpu.memory_space<semaphore_mem>>
    tpu.enqueue_indirect_dma source(%dma_start3A_104 : memref<1000000x32xf32, #tpu.memory_space<hbm>>) target(%dma_start3A_98 : memref<128x32xf32, #tpu.memory_space<vmem>>) offsets(%dma_start3A_101 : memref<128xi32, #tpu.memory_space<vmem>>) semaphore(%dma_start3A_106 : memref<!tpu.dma_semaphore, #tpu.memory_space<semaphore_mem>>)
    %scan3A = arith.constant 0 : i32
    %scan3A_107 = arith.constant 200 : i32
    %scan3A_108 = arith.addi %scan3A, %scan3A_107 : i32
    %scan3A_109 = arith.constant 1 : i32
    scf.for %scan3A_310 = %scan3A to %scan3A_108 step %scan3A_109  : i32 {
      %jit3A = arith.constant 8 : i32
      %eq3A = arith.constant 0 : i32
      %eq3A_311 = arith.cmpi eq, %jit3A, %eq3A : i32
      %jit3A_312 = arith.constant 1 : i32
      %select_n3A = arith.select %eq3A_311, %jit3A_312, %jit3A : i32
      %rem3A = arith.remsi %scan3A_310, %select_n3A : i32
      %ne3A = arith.constant 0 : i32
      %ne3A_313 = arith.cmpi ne, %rem3A, %ne3A : i32
      %lt3A = arith.constant 0 : i32
      %lt3A_314 = arith.cmpi slt, %rem3A, %lt3A : i32
      %lt3A_315 = arith.constant 0 : i32
      %lt3A_316 = arith.cmpi slt, %select_n3A, %lt3A_315 : i32
      %ne3A_317 = arith.xori %lt3A_314, %lt3A_316 : i1
      %and3A = arith.andi %ne3A_317, %ne3A_313 : i1
      %add3A_318 = arith.addi %rem3A, %select_n3A : i32
      %select_n3A_319 = arith.select %and3A, %add3A_318, %rem3A : i32
      %broadcast_in_dim3A = vector.broadcast %select_n3A_319 : i32 to vector<16xi32>
      %add3A_320 = arith.constant 8 : i32
      %add3A_321 = arith.addi %scan3A_310, %add3A_320 : i32
      %sub3A = arith.constant 1 : i32
      %sub3A_322 = arith.subi %add3A_321, %sub3A : i32
      %lt3A_323 = arith.constant 200 : i32
      %lt3A_324 = arith.cmpi slt, %sub3A_322, %lt3A_323 : i32
      %convert_element_type3A = arith.extui %lt3A_324 : i1 to i32
      %cond3A = arith.constant 0 : i32
      %cond3A_325 = arith.cmpi ne, %convert_element_type3A, %cond3A : i32
      scf.if %cond3A_325 {
        %add3A_366 = arith.constant 8 : i32
        %add3A_367 = arith.addi %scan3A_310, %add3A_366 : i32
        %sub3A_368 = arith.constant 1 : i32
        %sub3A_369 = arith.subi %add3A_367, %sub3A_368 : i32
        %add3A_370 = arith.constant 8 : i32
        %add3A_371 = arith.addi %scan3A_310, %add3A_370 : i32
        %sub3A_372 = arith.constant 1 : i32
        %sub3A_373 = arith.subi %add3A_371, %sub3A_372 : i32
        %jit3A_374 = arith.constant 8 : i32
        %eq3A_375 = arith.constant 0 : i32
        %eq3A_376 = arith.cmpi eq, %jit3A_374, %eq3A_375 : i32
        %jit3A_377 = arith.constant 1 : i32
        %select_n3A_378 = arith.select %eq3A_376, %jit3A_377, %jit3A_374 : i32
        %rem3A_379 = arith.remsi %sub3A_373, %select_n3A_378 : i32
        %ne3A_380 = arith.constant 0 : i32
        %ne3A_381 = arith.cmpi ne, %rem3A_379, %ne3A_380 : i32
        %lt3A_382 = arith.constant 0 : i32
        %lt3A_383 = arith.cmpi slt, %rem3A_379, %lt3A_382 : i32
        %lt3A_384 = arith.constant 0 : i32
        %lt3A_385 = arith.cmpi slt, %select_n3A_378, %lt3A_384 : i32
        %ne3A_386 = arith.xori %lt3A_383, %lt3A_385 : i1
        %and3A_387 = arith.andi %ne3A_386, %ne3A_381 : i1
        %add3A_388 = arith.addi %rem3A_379, %select_n3A_378 : i32
        %select_n3A_389 = arith.select %and3A_387, %add3A_388, %rem3A_379 : i32
        %dma_start3A_390 = arith.constant 0 : i32
        %dma_start3A_391 = arith.constant 0 : i32
        %dma_start3A_392 = tpu.memref_slice %arg6[%select_n3A_389, %dma_start3A_390, %dma_start3A_391] : memref<8x128x32xf32, #tpu.memory_space<vmem>> -> memref<1x128x32xf32, #tpu.memory_space<vmem>>
        %dma_start3A_393 = tpu.memref_squeeze %dma_start3A_392 : memref<1x128x32xf32, #tpu.memory_space<vmem>> -> memref<128x32xf32, #tpu.memory_space<vmem>>
        %dma_start3A_394 = arith.constant 0 : i32
        %dma_start3A_395 = tpu.memref_slice %arg5[%sub3A_369, %dma_start3A_394] : memref<200x128xi32, #tpu.memory_space<vmem>> -> memref<1x128xi32, #tpu.memory_space<vmem>>
        %dma_start3A_396 = tpu.memref_squeeze %dma_start3A_395 : memref<1x128xi32, #tpu.memory_space<vmem>> -> memref<128xi32, #tpu.memory_space<vmem>>
        %dma_start3A_397 = arith.constant 0 : i32
        %dma_start3A_398 = arith.constant 0 : i32
        %dma_start3A_399 = tpu.memref_slice %arg3[%dma_start3A_397, %dma_start3A_398] : memref<1000000x32xf32, #tpu.memory_space<hbm>> -> memref<1000000x32xf32, #tpu.memory_space<hbm>>
        %dma_start3A_400 = tpu.memref_slice %arg8[%select_n3A_389] : memref<8x!tpu.dma_semaphore, #tpu.memory_space<semaphore_mem>> -> memref<1x!tpu.dma_semaphore, #tpu.memory_space<semaphore_mem>>
        %dma_start3A_401 = tpu.memref_squeeze %dma_start3A_400 : memref<1x!tpu.dma_semaphore, #tpu.memory_space<semaphore_mem>> -> memref<!tpu.dma_semaphore, #tpu.memory_space<semaphore_mem>>
        tpu.enqueue_indirect_dma source(%dma_start3A_399 : memref<1000000x32xf32, #tpu.memory_space<hbm>>) target(%dma_start3A_393 : memref<128x32xf32, #tpu.memory_space<vmem>>) offsets(%dma_start3A_396 : memref<128xi32, #tpu.memory_space<vmem>>) semaphore(%dma_start3A_401 : memref<!tpu.dma_semaphore, #tpu.memory_space<semaphore_mem>>)
      } else {
      }
      %dma_wait3A_326 = arith.constant 0 : i32
      %dma_wait3A_327 = arith.constant 0 : i32
      %dma_wait3A_328 = tpu.memref_slice %arg6[%select_n3A_319, %dma_wait3A_326, %dma_wait3A_327] : memref<8x128x32xf32, #tpu.memory_space<vmem>> -> memref<1x128x32xf32, #tpu.memory_space<vmem>>
      %dma_wait3A_329 = tpu.memref_squeeze %dma_wait3A_328 : memref<1x128x32xf32, #tpu.memory_space<vmem>> -> memref<128x32xf32, #tpu.memory_space<vmem>>
      %dma_wait3A_330 = arith.constant 0 : i32
      %dma_wait3A_331 = tpu.memref_slice %arg5[%scan3A_310, %dma_wait3A_330] : memref<200x128xi32, #tpu.memory_space<vmem>> -> memref<1x128xi32, #tpu.memory_space<vmem>>
      %dma_wait3A_332 = tpu.memref_squeeze %dma_wait3A_331 : memref<1x128xi32, #tpu.memory_space<vmem>> -> memref<128xi32, #tpu.memory_space<vmem>>
      %dma_wait3A_333 = arith.constant 0 : i32
      %dma_wait3A_334 = arith.constant 0 : i32
      %dma_wait3A_335 = tpu.memref_slice %arg3[%dma_wait3A_333, %dma_wait3A_334] : memref<1000000x32xf32, #tpu.memory_space<hbm>> -> memref<1000000x32xf32, #tpu.memory_space<hbm>>
      %dma_wait3A_336 = tpu.memref_slice %arg8[%select_n3A_319] : memref<8x!tpu.dma_semaphore, #tpu.memory_space<semaphore_mem>> -> memref<1x!tpu.dma_semaphore, #tpu.memory_space<semaphore_mem>>
      %dma_wait3A_337 = tpu.memref_squeeze %dma_wait3A_336 : memref<1x!tpu.dma_semaphore, #tpu.memory_space<semaphore_mem>> -> memref<!tpu.dma_semaphore, #tpu.memory_space<semaphore_mem>>
      tpu.wait_indirect_dma semaphore(%dma_wait3A_337 : memref<!tpu.dma_semaphore, #tpu.memory_space<semaphore_mem>>) src(%dma_wait3A_335 : memref<1000000x32xf32, #tpu.memory_space<hbm>>) dst(%dma_wait3A_329 : memref<128x32xf32, #tpu.memory_space<vmem>>)
      %ge3A = arith.constant 8 : i32
      %ge3A_338 = arith.cmpi sge, %scan3A_310, %ge3A : i32
      %convert_element_type3A_339 = arith.extui %ge3A_338 : i1 to i32
      %cond3A_340 = arith.constant 0 : i32
      %cond3A_341 = arith.cmpi ne, %convert_element_type3A_339, %cond3A_340 : i32
      scf.if %cond3A_341 {
        %sub3A_366 = arith.constant 8 : i32
        %sub3A_367 = arith.subi %scan3A_310, %sub3A_366 : i32
        %dma_wait3A_368 = arith.constant 0 : i32
        %dma_wait3A_369 = arith.constant 0 : i32
        %dma_wait3A_370 = arith.constant 0 : i32
        %dma_wait3A_371 = tpu.memref_slice %arg7[%select_n3A_319, %dma_wait3A_368, %dma_wait3A_369, %dma_wait3A_370] : memref<8x4x8x128xf32, #tpu.memory_space<vmem>> -> memref<1x4x8x128xf32, #tpu.memory_space<vmem>>
        %dma_wait3A_372 = tpu.memref_squeeze %dma_wait3A_371 : memref<1x4x8x128xf32, #tpu.memory_space<vmem>> -> memref<4x8x128xf32, #tpu.memory_space<vmem>>
        %dma_wait3A_373 = arith.constant 0 : i32
        %dma_wait3A_374 = arith.constant 0 : i32
        %dma_wait3A_375 = arith.constant 0 : i32
        %dma_wait3A_376 = tpu.memref_slice %arg4[%sub3A_367, %dma_wait3A_373, %add3A, %dma_wait3A_374, %dma_wait3A_375] : memref<200x4x32x8x128xf32, #tpu.memory_space<hbm>> -> memref<1x4x1x8x128xf32, #tpu.memory_space<hbm>>
        %dma_wait3A_377 = tpu.memref_squeeze %dma_wait3A_376 : memref<1x4x1x8x128xf32, #tpu.memory_space<hbm>> -> memref<4x8x128xf32, #tpu.memory_space<hbm>>
        %dma_wait3A_378 = tpu.memref_slice %arg9[%select_n3A_319] : memref<8x!tpu.dma_semaphore, #tpu.memory_space<semaphore_mem>> -> memref<1x!tpu.dma_semaphore, #tpu.memory_space<semaphore_mem>>
        %dma_wait3A_379 = tpu.memref_squeeze %dma_wait3A_378 : memref<1x!tpu.dma_semaphore, #tpu.memory_space<semaphore_mem>> -> memref<!tpu.dma_semaphore, #tpu.memory_space<semaphore_mem>>
        %dma_wait3A_380 = arith.constant 0 : i32
        %dma_wait3A_381 = arith.constant 0 : i32
        %dma_wait3A_382 = arith.constant 0 : i32
        %dma_wait3A_383 = tpu.memref_slice %arg4[%sub3A_367, %dma_wait3A_380, %add3A, %dma_wait3A_381, %dma_wait3A_382] : memref<200x4x32x8x128xf32, #tpu.memory_space<hbm>> -> memref<1x4x1x8x128xf32, #tpu.memory_space<hbm>>
        %dma_wait3A_384 = tpu.memref_squeeze %dma_wait3A_383 : memref<1x4x1x8x128xf32, #tpu.memory_space<hbm>> -> memref<4x8x128xf32, #tpu.memory_space<hbm>>
        %dma_wait3A_385 = arith.constant 0 : i32
        %dma_wait3A_386 = arith.constant 0 : i32
        %dma_wait3A_387 = arith.constant 0 : i32
        %dma_wait3A_388 = tpu.memref_slice %arg7[%select_n3A_319, %dma_wait3A_385, %dma_wait3A_386, %dma_wait3A_387] : memref<8x4x8x128xf32, #tpu.memory_space<vmem>> -> memref<1x4x8x128xf32, #tpu.memory_space<vmem>>
        %dma_wait3A_389 = tpu.memref_squeeze %dma_wait3A_388 : memref<1x4x8x128xf32, #tpu.memory_space<vmem>> -> memref<4x8x128xf32, #tpu.memory_space<vmem>>
        tpu.wait_dma2 semaphore(%dma_wait3A_379 : memref<!tpu.dma_semaphore, #tpu.memory_space<semaphore_mem>>) src(%dma_wait3A_389 : memref<4x8x128xf32, #tpu.memory_space<vmem>>) dst(%dma_wait3A_384 : memref<4x8x128xf32, #tpu.memory_space<hbm>>)
      } else {
      }
      %parallel_loop3A = arith.constant 0 : i32
      %parallel_loop3A_342 = arith.constant 256 : i32
      %parallel_loop3A_343 = arith.constant 1 : i32
      scf.for %parallel_loop3A_366 = %parallel_loop3A to %parallel_loop3A_342 step %parallel_loop3A_343  : i32 {
        %parallel_loop3A_367 = arith.constant 8 : i32
        %parallel_loop3A_368 = arith.divsi %parallel_loop3A_366, %parallel_loop3A_367 : i32
        %parallel_loop3A_369 = arith.constant 0 : i32
        %parallel_loop3A_370 = arith.cmpi sgt, %parallel_loop3A_366, %parallel_loop3A_369 : i32
        %parallel_loop3A_371 = arith.extui %parallel_loop3A_370 : i1 to i32
        %parallel_loop3A_372 = arith.constant 0 : i32
        %parallel_loop3A_373 = arith.cmpi slt, %parallel_loop3A_366, %parallel_loop3A_372 : i32
        %parallel_loop3A_374 = arith.extui %parallel_loop3A_373 : i1 to i32
        %parallel_loop3A_375 = arith.subi %parallel_loop3A_371, %parallel_loop3A_374 : i32
        %parallel_loop3A_376 = arith.constant 0 : i32
        %parallel_loop3A_377 = arith.cmpi sgt, %parallel_loop3A_367, %parallel_loop3A_376 : i32
        %parallel_loop3A_378 = arith.extui %parallel_loop3A_377 : i1 to i32
        %parallel_loop3A_379 = arith.constant 0 : i32
        %parallel_loop3A_380 = arith.cmpi slt, %parallel_loop3A_367, %parallel_loop3A_379 : i32
        %parallel_loop3A_381 = arith.extui %parallel_loop3A_380 : i1 to i32
        %parallel_loop3A_382 = arith.subi %parallel_loop3A_378, %parallel_loop3A_381 : i32
        %parallel_loop3A_383 = arith.cmpi ne, %parallel_loop3A_375, %parallel_loop3A_382 : i32
        %parallel_loop3A_384 = arith.remsi %parallel_loop3A_366, %parallel_loop3A_367 : i32
        %parallel_loop3A_385 = arith.constant 0 : i32
        %parallel_loop3A_386 = arith.cmpi ne, %parallel_loop3A_384, %parallel_loop3A_385 : i32
        %parallel_loop3A_387 = arith.andi %parallel_loop3A_383, %parallel_loop3A_386 : i1
        %parallel_loop3A_388 = arith.constant 1 : i32
        %parallel_loop3A_389 = arith.subi %parallel_loop3A_368, %parallel_loop3A_388 : i32
        %parallel_loop3A_390 = arith.select %parallel_loop3A_387, %parallel_loop3A_389, %parallel_loop3A_368 : i32
        %parallel_loop3A_391 = arith.constant 8 : i32
        %parallel_loop3A_392 = arith.constant 0 : i32
        %parallel_loop3A_393 = arith.cmpi eq, %parallel_loop3A_391, %parallel_loop3A_392 : i32
        %parallel_loop3A_394 = arith.constant 1 : i32
        %parallel_loop3A_395 = arith.select %parallel_loop3A_393, %parallel_loop3A_394, %parallel_loop3A_391 : i32
        %parallel_loop3A_396 = arith.remsi %parallel_loop3A_366, %parallel_loop3A_395 : i32
        %parallel_loop3A_397 = arith.constant 0 : i32
        %parallel_loop3A_398 = arith.cmpi ne, %parallel_loop3A_396, %parallel_loop3A_397 : i32
        %parallel_loop3A_399 = arith.constant 0 : i32
        %parallel_loop3A_400 = arith.cmpi slt, %parallel_loop3A_396, %parallel_loop3A_399 : i32
        %parallel_loop3A_401 = arith.constant 0 : i32
        %parallel_loop3A_402 = arith.cmpi slt, %parallel_loop3A_395, %parallel_loop3A_401 : i32
        %parallel_loop3A_403 = arith.xori %parallel_loop3A_400, %parallel_loop3A_402 : i1
        %parallel_loop3A_404 = arith.andi %parallel_loop3A_403, %parallel_loop3A_398 : i1
        %parallel_loop3A_405 = arith.addi %parallel_loop3A_396, %parallel_loop3A_395 : i32
        %parallel_loop3A_406 = arith.select %parallel_loop3A_404, %parallel_loop3A_405, %parallel_loop3A_396 : i32
        %parallel_loop3A_407 = arith.constant 16 : i32
        %parallel_loop3A_408 = arith.muli %parallel_loop3A_406, %parallel_loop3A_407 : i32
        %parallel_loop3A_409 = vector.broadcast %parallel_loop3A_408 : i32 to vector<16xi32>
        %parallel_loop3A_410 = arith.addi %parallel_loop3A_409, %iota3A : vector<16xi32>
        %parallel_loop3A_411 = vector.broadcast %parallel_loop3A_390 : i32 to vector<16xi32>
        %parallel_loop3A_412 = tpu.vector_load_idx %arg6[%broadcast_in_dim3A, %parallel_loop3A_410, %parallel_loop3A_411] : memref<8x128x32xf32, #tpu.memory_space<vmem>>[vector<16xi32>, vector<16xi32>, vector<16xi32>], vector<16xf32>,
        %parallel_loop3A_413 = arith.constant 8 : i32
        %parallel_loop3A_414 = arith.divsi %parallel_loop3A_390, %parallel_loop3A_413 : i32
        %parallel_loop3A_415 = arith.constant 0 : i32
        %parallel_loop3A_416 = arith.cmpi sgt, %parallel_loop3A_390, %parallel_loop3A_415 : i32
        %parallel_loop3A_417 = arith.extui %parallel_loop3A_416 : i1 to i32
        %parallel_loop3A_418 = arith.constant 0 : i32
        %parallel_loop3A_419 = arith.cmpi slt, %parallel_loop3A_390, %parallel_loop3A_418 : i32
        %parallel_loop3A_420 = arith.extui %parallel_loop3A_419 : i1 to i32
        %parallel_loop3A_421 = arith.subi %parallel_loop3A_417, %parallel_loop3A_420 : i32
        %parallel_loop3A_422 = arith.constant 0 : i32
        %parallel_loop3A_423 = arith.cmpi sgt, %parallel_loop3A_413, %parallel_loop3A_422 : i32
        %parallel_loop3A_424 = arith.extui %parallel_loop3A_423 : i1 to i32
        %parallel_loop3A_425 = arith.constant 0 : i32
        %parallel_loop3A_426 = arith.cmpi slt, %parallel_loop3A_413, %parallel_loop3A_425 : i32
        %parallel_loop3A_427 = arith.extui %parallel_loop3A_426 : i1 to i32
        %parallel_loop3A_428 = arith.subi %parallel_loop3A_424, %parallel_loop3A_427 : i32
        %parallel_loop3A_429 = arith.cmpi ne, %parallel_loop3A_421, %parallel_loop3A_428 : i32
        %parallel_loop3A_430 = arith.remsi %parallel_loop3A_390, %parallel_loop3A_413 : i32
        %parallel_loop3A_431 = arith.constant 0 : i32
        %parallel_loop3A_432 = arith.cmpi ne, %parallel_loop3A_430, %parallel_loop3A_431 : i32
        %parallel_loop3A_433 = arith.andi %parallel_loop3A_429, %parallel_loop3A_432 : i1
        %parallel_loop3A_434 = arith.constant 1 : i32
        %parallel_loop3A_435 = arith.subi %parallel_loop3A_414, %parallel_loop3A_434 : i32
        %parallel_loop3A_436 = arith.select %parallel_loop3A_433, %parallel_loop3A_435, %parallel_loop3A_414 : i32
        %parallel_loop3A_437 = arith.constant 8 : i32
        %parallel_loop3A_438 = arith.constant 0 : i32
        %parallel_loop3A_439 = arith.cmpi eq, %parallel_loop3A_437, %parallel_loop3A_438 : i32
        %parallel_loop3A_440 = arith.constant 1 : i32
        %parallel_loop3A_441 = arith.select %parallel_loop3A_439, %parallel_loop3A_440, %parallel_loop3A_437 : i32
        %parallel_loop3A_442 = arith.remsi %parallel_loop3A_390, %parallel_loop3A_441 : i32
        %parallel_loop3A_443 = arith.constant 0 : i32
        %parallel_loop3A_444 = arith.cmpi ne, %parallel_loop3A_442, %parallel_loop3A_443 : i32
        %parallel_loop3A_445 = arith.constant 0 : i32
        %parallel_loop3A_446 = arith.cmpi slt, %parallel_loop3A_442, %parallel_loop3A_445 : i32
        %parallel_loop3A_447 = arith.constant 0 : i32
        %parallel_loop3A_448 = arith.cmpi slt, %parallel_loop3A_441, %parallel_loop3A_447 : i32
        %parallel_loop3A_449 = arith.xori %parallel_loop3A_446, %parallel_loop3A_448 : i1
        %parallel_loop3A_450 = arith.andi %parallel_loop3A_449, %parallel_loop3A_444 : i1
        %parallel_loop3A_451 = arith.addi %parallel_loop3A_442, %parallel_loop3A_441 : i32
        %parallel_loop3A_452 = arith.select %parallel_loop3A_450, %parallel_loop3A_451, %parallel_loop3A_442 : i32
        %parallel_loop3A_453 = arith.constant 16 : i32
        %parallel_loop3A_454 = arith.muli %parallel_loop3A_406, %parallel_loop3A_453 : i32
        %parallel_loop3A_455 = arith.index_cast %select_n3A_319 : i32 to index
        %parallel_loop3A_456 = arith.index_cast %parallel_loop3A_436 : i32 to index
        %parallel_loop3A_457 = arith.index_cast %parallel_loop3A_452 : i32 to index
        %parallel_loop3A_458 = arith.index_cast %parallel_loop3A_454 : i32 to index
        %parallel_loop3A_459 = tpu.vector_load %arg7[%parallel_loop3A_455, %parallel_loop3A_456, %parallel_loop3A_457, %parallel_loop3A_458] {strides = array<i32>} : memref<8x4x8x128xf32, #tpu.memory_space<vmem>>, vector<16xf32>,
        tpu.vector_store %arg7[%parallel_loop3A_455, %parallel_loop3A_456, %parallel_loop3A_457, %parallel_loop3A_458], %parallel_loop3A_412 {strides = array<i32>} : memref<8x4x8x128xf32, #tpu.memory_space<vmem>>, vector<16xf32>,
      } {sc.loop_unroll_factor = 32 : i64, sc.parallel_access}
      %dma_start3A_344 = arith.constant 0 : i32
      %dma_start3A_345 = arith.constant 0 : i32
      %dma_start3A_346 = arith.constant 0 : i32
      %dma_start3A_347 = tpu.memref_slice %arg7[%select_n3A_319, %dma_start3A_344, %dma_start3A_345, %dma_start3A_346] : memref<8x4x8x128xf32, #tpu.memory_space<vmem>> -> memref<1x4x8x128xf32, #tpu.memory_space<vmem>>
      %dma_start3A_348 = tpu.memref_squeeze %dma_start3A_347 : memref<1x4x8x128xf32, #tpu.memory_space<vmem>> -> memref<4x8x128xf32, #tpu.memory_space<vmem>>
      %dma_start3A_349 = arith.constant 0 : i32
      %dma_start3A_350 = arith.constant 0 : i32
      %dma_start3A_351 = arith.constant 0 : i32
      %dma_start3A_352 = tpu.memref_slice %arg4[%scan3A_310, %dma_start3A_349, %add3A, %dma_start3A_350, %dma_start3A_351] : memref<200x4x32x8x128xf32, #tpu.memory_space<hbm>> -> memref<1x4x1x8x128xf32, #tpu.memory_space<hbm>>
      %dma_start3A_353 = tpu.memref_squeeze %dma_start3A_352 : memref<1x4x1x8x128xf32, #tpu.memory_space<hbm>> -> memref<4x8x128xf32, #tpu.memory_space<hbm>>
      %dma_start3A_354 = tpu.memref_slice %arg9[%select_n3A_319] : memref<8x!tpu.dma_semaphore, #tpu.memory_space<semaphore_mem>> -> memref<1x!tpu.dma_semaphore, #tpu.memory_space<semaphore_mem>>
      %dma_start3A_355 = tpu.memref_squeeze %dma_start3A_354 : memref<1x!tpu.dma_semaphore, #tpu.memory_space<semaphore_mem>> -> memref<!tpu.dma_semaphore, #tpu.memory_space<semaphore_mem>>
      %dma_start3A_356 = arith.constant 0 : i32
      %dma_start3A_357 = arith.constant 0 : i32
      %dma_start3A_358 = arith.constant 0 : i32
      %dma_start3A_359 = tpu.memref_slice %arg4[%scan3A_310, %dma_start3A_356, %add3A, %dma_start3A_357, %dma_start3A_358] : memref<200x4x32x8x128xf32, #tpu.memory_space<hbm>> -> memref<1x4x1x8x128xf32, #tpu.memory_space<hbm>>
      %dma_start3A_360 = tpu.memref_squeeze %dma_start3A_359 : memref<1x4x1x8x128xf32, #tpu.memory_space<hbm>> -> memref<4x8x128xf32, #tpu.memory_space<hbm>>
      %dma_start3A_361 = arith.constant 0 : i32
      %dma_start3A_362 = arith.constant 0 : i32
      %dma_start3A_363 = arith.constant 0 : i32
      %dma_start3A_364 = tpu.memref_slice %arg7[%select_n3A_319, %dma_start3A_361, %dma_start3A_362, %dma_start3A_363] : memref<8x4x8x128xf32, #tpu.memory_space<vmem>> -> memref<1x4x8x128xf32, #tpu.memory_space<vmem>>
      %dma_start3A_365 = tpu.memref_squeeze %dma_start3A_364 : memref<1x4x8x128xf32, #tpu.memory_space<vmem>> -> memref<4x8x128xf32, #tpu.memory_space<vmem>>
      tpu.enqueue_dma source(%dma_start3A_365 : memref<4x8x128xf32, #tpu.memory_space<vmem>>) target(%dma_start3A_360 : memref<4x8x128xf32, #tpu.memory_space<hbm>>) target_semaphore(%dma_start3A_355 : memref<!tpu.dma_semaphore, #tpu.memory_space<semaphore_mem>>)
    }
    %scan3A_110 = arith.constant 200 : i32
    %dma_wait3A = arith.constant 0 : i32
    %dma_wait3A_111 = arith.constant 192 : i32
    %dma_wait3A_112 = arith.constant 0 : i32
    %dma_wait3A_113 = arith.constant 0 : i32
    %dma_wait3A_114 = arith.constant 0 : i32
    %dma_wait3A_115 = arith.constant 0 : i32
    %dma_wait3A_116 = tpu.memref_slice %arg7[%dma_wait3A, %dma_wait3A_113, %dma_wait3A_114, %dma_wait3A_115] : memref<8x4x8x128xf32, #tpu.memory_space<vmem>> -> memref<1x4x8x128xf32, #tpu.memory_space<vmem>>
    %dma_wait3A_117 = tpu.memref_squeeze %dma_wait3A_116 : memref<1x4x8x128xf32, #tpu.memory_space<vmem>> -> memref<4x8x128xf32, #tpu.memory_space<vmem>>
    %dma_wait3A_118 = arith.constant 0 : i32
    %dma_wait3A_119 = arith.constant 0 : i32
    %dma_wait3A_120 = arith.constant 0 : i32
    %dma_wait3A_121 = tpu.memref_slice %arg4[%dma_wait3A_111, %dma_wait3A_118, %add3A, %dma_wait3A_119, %dma_wait3A_120] : memref<200x4x32x8x128xf32, #tpu.memory_space<hbm>> -> memref<1x4x1x8x128xf32, #tpu.memory_space<hbm>>
    %dma_wait3A_122 = tpu.memref_squeeze %dma_wait3A_121 : memref<1x4x1x8x128xf32, #tpu.memory_space<hbm>> -> memref<4x8x128xf32, #tpu.memory_space<hbm>>
    %dma_wait3A_123 = tpu.memref_slice %arg9[%dma_wait3A_112] : memref<8x!tpu.dma_semaphore, #tpu.memory_space<semaphore_mem>> -> memref<1x!tpu.dma_semaphore, #tpu.memory_space<semaphore_mem>>
    %dma_wait3A_124 = tpu.memref_squeeze %dma_wait3A_123 : memref<1x!tpu.dma_semaphore, #tpu.memory_space<semaphore_mem>> -> memref<!tpu.dma_semaphore, #tpu.memory_space<semaphore_mem>>
    %dma_wait3A_125 = arith.constant 0 : i32
    %dma_wait3A_126 = arith.constant 0 : i32
    %dma_wait3A_127 = arith.constant 0 : i32
    %dma_wait3A_128 = tpu.memref_slice %arg4[%dma_wait3A_111, %dma_wait3A_125, %add3A, %dma_wait3A_126, %dma_wait3A_127] : memref<200x4x32x8x128xf32, #tpu.memory_space<hbm>> -> memref<1x4x1x8x128xf32, #tpu.memory_space<hbm>>
    %dma_wait3A_129 = tpu.memref_squeeze %dma_wait3A_128 : memref<1x4x1x8x128xf32, #tpu.memory_space<hbm>> -> memref<4x8x128xf32, #tpu.memory_space<hbm>>
    %dma_wait3A_130 = arith.constant 0 : i32
    %dma_wait3A_131 = arith.constant 0 : i32
    %dma_wait3A_132 = arith.constant 0 : i32
    %dma_wait3A_133 = tpu.memref_slice %arg7[%dma_wait3A, %dma_wait3A_130, %dma_wait3A_131, %dma_wait3A_132] : memref<8x4x8x128xf32, #tpu.memory_space<vmem>> -> memref<1x4x8x128xf32, #tpu.memory_space<vmem>>
    %dma_wait3A_134 = tpu.memref_squeeze %dma_wait3A_133 : memref<1x4x8x128xf32, #tpu.memory_space<vmem>> -> memref<4x8x128xf32, #tpu.memory_space<vmem>>
    tpu.wait_dma2 semaphore(%dma_wait3A_124 : memref<!tpu.dma_semaphore, #tpu.memory_space<semaphore_mem>>) src(%dma_wait3A_134 : memref<4x8x128xf32, #tpu.memory_space<vmem>>) dst(%dma_wait3A_129 : memref<4x8x128xf32, #tpu.memory_space<hbm>>)
    %dma_wait3A_135 = arith.constant 1 : i32
    %dma_wait3A_136 = arith.constant 193 : i32
    %dma_wait3A_137 = arith.constant 1 : i32
    %dma_wait3A_138 = arith.constant 0 : i32
    %dma_wait3A_139 = arith.constant 0 : i32
    %dma_wait3A_140 = arith.constant 0 : i32
    %dma_wait3A_141 = tpu.memref_slice %arg7[%dma_wait3A_135, %dma_wait3A_138, %dma_wait3A_139, %dma_wait3A_140] : memref<8x4x8x128xf32, #tpu.memory_space<vmem>> -> memref<1x4x8x128xf32, #tpu.memory_space<vmem>>
    %dma_wait3A_142 = tpu.memref_squeeze %dma_wait3A_141 : memref<1x4x8x128xf32, #tpu.memory_space<vmem>> -> memref<4x8x128xf32, #tpu.memory_space<vmem>>
    %dma_wait3A_143 = arith.constant 0 : i32
    %dma_wait3A_144 = arith.constant 0 : i32
    %dma_wait3A_145 = arith.constant 0 : i32
    %dma_wait3A_146 = tpu.memref_slice %arg4[%dma_wait3A_136, %dma_wait3A_143, %add3A, %dma_wait3A_144, %dma_wait3A_145] : memref<200x4x32x8x128xf32, #tpu.memory_space<hbm>> -> memref<1x4x1x8x128xf32, #tpu.memory_space<hbm>>
    %dma_wait3A_147 = tpu.memref_squeeze %dma_wait3A_146 : memref<1x4x1x8x128xf32, #tpu.memory_space<hbm>> -> memref<4x8x128xf32, #tpu.memory_space<hbm>>
    %dma_wait3A_148 = tpu.memref_slice %arg9[%dma_wait3A_137] : memref<8x!tpu.dma_semaphore, #tpu.memory_space<semaphore_mem>> -> memref<1x!tpu.dma_semaphore, #tpu.memory_space<semaphore_mem>>
    %dma_wait3A_149 = tpu.memref_squeeze %dma_wait3A_148 : memref<1x!tpu.dma_semaphore, #tpu.memory_space<semaphore_mem>> -> memref<!tpu.dma_semaphore, #tpu.memory_space<semaphore_mem>>
    %dma_wait3A_150 = arith.constant 0 : i32
    %dma_wait3A_151 = arith.constant 0 : i32
    %dma_wait3A_152 = arith.constant 0 : i32
    %dma_wait3A_153 = tpu.memref_slice %arg4[%dma_wait3A_136, %dma_wait3A_150, %add3A, %dma_wait3A_151, %dma_wait3A_152] : memref<200x4x32x8x128xf32, #tpu.memory_space<hbm>> -> memref<1x4x1x8x128xf32, #tpu.memory_space<hbm>>
    %dma_wait3A_154 = tpu.memref_squeeze %dma_wait3A_153 : memref<1x4x1x8x128xf32, #tpu.memory_space<hbm>> -> memref<4x8x128xf32, #tpu.memory_space<hbm>>
    %dma_wait3A_155 = arith.constant 0 : i32
    %dma_wait3A_156 = arith.constant 0 : i32
    %dma_wait3A_157 = arith.constant 0 : i32
    %dma_wait3A_158 = tpu.memref_slice %arg7[%dma_wait3A_135, %dma_wait3A_155, %dma_wait3A_156, %dma_wait3A_157] : memref<8x4x8x128xf32, #tpu.memory_space<vmem>> -> memref<1x4x8x128xf32, #tpu.memory_space<vmem>>
    %dma_wait3A_159 = tpu.memref_squeeze %dma_wait3A_158 : memref<1x4x8x128xf32, #tpu.memory_space<vmem>> -> memref<4x8x128xf32, #tpu.memory_space<vmem>>
    tpu.wait_dma2 semaphore(%dma_wait3A_149 : memref<!tpu.dma_semaphore, #tpu.memory_space<semaphore_mem>>) src(%dma_wait3A_159 : memref<4x8x128xf32, #tpu.memory_space<vmem>>) dst(%dma_wait3A_154 : memref<4x8x128xf32, #tpu.memory_space<hbm>>)
    %dma_wait3A_160 = arith.constant 2 : i32
    %dma_wait3A_161 = arith.constant 194 : i32
    %dma_wait3A_162 = arith.constant 2 : i32
    %dma_wait3A_163 = arith.constant 0 : i32
    %dma_wait3A_164 = arith.constant 0 : i32
    %dma_wait3A_165 = arith.constant 0 : i32
    %dma_wait3A_166 = tpu.memref_slice %arg7[%dma_wait3A_160, %dma_wait3A_163, %dma_wait3A_164, %dma_wait3A_165] : memref<8x4x8x128xf32, #tpu.memory_space<vmem>> -> memref<1x4x8x128xf32, #tpu.memory_space<vmem>>
    %dma_wait3A_167 = tpu.memref_squeeze %dma_wait3A_166 : memref<1x4x8x128xf32, #tpu.memory_space<vmem>> -> memref<4x8x128xf32, #tpu.memory_space<vmem>>
    %dma_wait3A_168 = arith.constant 0 : i32
    %dma_wait3A_169 = arith.constant 0 : i32
    %dma_wait3A_170 = arith.constant 0 : i32
    %dma_wait3A_171 = tpu.memref_slice %arg4[%dma_wait3A_161, %dma_wait3A_168, %add3A, %dma_wait3A_169, %dma_wait3A_170] : memref<200x4x32x8x128xf32, #tpu.memory_space<hbm>> -> memref<1x4x1x8x128xf32, #tpu.memory_space<hbm>>
    %dma_wait3A_172 = tpu.memref_squeeze %dma_wait3A_171 : memref<1x4x1x8x128xf32, #tpu.memory_space<hbm>> -> memref<4x8x128xf32, #tpu.memory_space<hbm>>
    %dma_wait3A_173 = tpu.memref_slice %arg9[%dma_wait3A_162] : memref<8x!tpu.dma_semaphore, #tpu.memory_space<semaphore_mem>> -> memref<1x!tpu.dma_semaphore, #tpu.memory_space<semaphore_mem>>
    %dma_wait3A_174 = tpu.memref_squeeze %dma_wait3A_173 : memref<1x!tpu.dma_semaphore, #tpu.memory_space<semaphore_mem>> -> memref<!tpu.dma_semaphore, #tpu.memory_space<semaphore_mem>>
    %dma_wait3A_175 = arith.constant 0 : i32
    %dma_wait3A_176 = arith.constant 0 : i32
    %dma_wait3A_177 = arith.constant 0 : i32
    %dma_wait3A_178 = tpu.memref_slice %arg4[%dma_wait3A_161, %dma_wait3A_175, %add3A, %dma_wait3A_176, %dma_wait3A_177] : memref<200x4x32x8x128xf32, #tpu.memory_space<hbm>> -> memref<1x4x1x8x128xf32, #tpu.memory_space<hbm>>
    %dma_wait3A_179 = tpu.memref_squeeze %dma_wait3A_178 : memref<1x4x1x8x128xf32, #tpu.memory_space<hbm>> -> memref<4x8x128xf32, #tpu.memory_space<hbm>>
    %dma_wait3A_180 = arith.constant 0 : i32
    %dma_wait3A_181 = arith.constant 0 : i32
    %dma_wait3A_182 = arith.constant 0 : i32
    %dma_wait3A_183 = tpu.memref_slice %arg7[%dma_wait3A_160, %dma_wait3A_180, %dma_wait3A_181, %dma_wait3A_182] : memref<8x4x8x128xf32, #tpu.memory_space<vmem>> -> memref<1x4x8x128xf32, #tpu.memory_space<vmem>>
    %dma_wait3A_184 = tpu.memref_squeeze %dma_wait3A_183 : memref<1x4x8x128xf32, #tpu.memory_space<vmem>> -> memref<4x8x128xf32, #tpu.memory_space<vmem>>
    tpu.wait_dma2 semaphore(%dma_wait3A_174 : memref<!tpu.dma_semaphore, #tpu.memory_space<semaphore_mem>>) src(%dma_wait3A_184 : memref<4x8x128xf32, #tpu.memory_space<vmem>>) dst(%dma_wait3A_179 : memref<4x8x128xf32, #tpu.memory_space<hbm>>)
    %dma_wait3A_185 = arith.constant 3 : i32
    %dma_wait3A_186 = arith.constant 195 : i32
    %dma_wait3A_187 = arith.constant 3 : i32
    %dma_wait3A_188 = arith.constant 0 : i32
    %dma_wait3A_189 = arith.constant 0 : i32
    %dma_wait3A_190 = arith.constant 0 : i32
    %dma_wait3A_191 = tpu.memref_slice %arg7[%dma_wait3A_185, %dma_wait3A_188, %dma_wait3A_189, %dma_wait3A_190] : memref<8x4x8x128xf32, #tpu.memory_space<vmem>> -> memref<1x4x8x128xf32, #tpu.memory_space<vmem>>
    %dma_wait3A_192 = tpu.memref_squeeze %dma_wait3A_191 : memref<1x4x8x128xf32, #tpu.memory_space<vmem>> -> memref<4x8x128xf32, #tpu.memory_space<vmem>>
    %dma_wait3A_193 = arith.constant 0 : i32
    %dma_wait3A_194 = arith.constant 0 : i32
    %dma_wait3A_195 = arith.constant 0 : i32
    %dma_wait3A_196 = tpu.memref_slice %arg4[%dma_wait3A_186, %dma_wait3A_193, %add3A, %dma_wait3A_194, %dma_wait3A_195] : memref<200x4x32x8x128xf32, #tpu.memory_space<hbm>> -> memref<1x4x1x8x128xf32, #tpu.memory_space<hbm>>
    %dma_wait3A_197 = tpu.memref_squeeze %dma_wait3A_196 : memref<1x4x1x8x128xf32, #tpu.memory_space<hbm>> -> memref<4x8x128xf32, #tpu.memory_space<hbm>>
    %dma_wait3A_198 = tpu.memref_slice %arg9[%dma_wait3A_187] : memref<8x!tpu.dma_semaphore, #tpu.memory_space<semaphore_mem>> -> memref<1x!tpu.dma_semaphore, #tpu.memory_space<semaphore_mem>>
    %dma_wait3A_199 = tpu.memref_squeeze %dma_wait3A_198 : memref<1x!tpu.dma_semaphore, #tpu.memory_space<semaphore_mem>> -> memref<!tpu.dma_semaphore, #tpu.memory_space<semaphore_mem>>
    %dma_wait3A_200 = arith.constant 0 : i32
    %dma_wait3A_201 = arith.constant 0 : i32
    %dma_wait3A_202 = arith.constant 0 : i32
    %dma_wait3A_203 = tpu.memref_slice %arg4[%dma_wait3A_186, %dma_wait3A_200, %add3A, %dma_wait3A_201, %dma_wait3A_202] : memref<200x4x32x8x128xf32, #tpu.memory_space<hbm>> -> memref<1x4x1x8x128xf32, #tpu.memory_space<hbm>>
    %dma_wait3A_204 = tpu.memref_squeeze %dma_wait3A_203 : memref<1x4x1x8x128xf32, #tpu.memory_space<hbm>> -> memref<4x8x128xf32, #tpu.memory_space<hbm>>
    %dma_wait3A_205 = arith.constant 0 : i32
    %dma_wait3A_206 = arith.constant 0 : i32
    %dma_wait3A_207 = arith.constant 0 : i32
    %dma_wait3A_208 = tpu.memref_slice %arg7[%dma_wait3A_185, %dma_wait3A_205, %dma_wait3A_206, %dma_wait3A_207] : memref<8x4x8x128xf32, #tpu.memory_space<vmem>> -> memref<1x4x8x128xf32, #tpu.memory_space<vmem>>
    %dma_wait3A_209 = tpu.memref_squeeze %dma_wait3A_208 : memref<1x4x8x128xf32, #tpu.memory_space<vmem>> -> memref<4x8x128xf32, #tpu.memory_space<vmem>>
    tpu.wait_dma2 semaphore(%dma_wait3A_199 : memref<!tpu.dma_semaphore, #tpu.memory_space<semaphore_mem>>) src(%dma_wait3A_209 : memref<4x8x128xf32, #tpu.memory_space<vmem>>) dst(%dma_wait3A_204 : memref<4x8x128xf32, #tpu.memory_space<hbm>>)
    %dma_wait3A_210 = arith.constant 4 : i32
    %dma_wait3A_211 = arith.constant 196 : i32
    %dma_wait3A_212 = arith.constant 4 : i32
    %dma_wait3A_213 = arith.constant 0 : i32
    %dma_wait3A_214 = arith.constant 0 : i32
    %dma_wait3A_215 = arith.constant 0 : i32
    %dma_wait3A_216 = tpu.memref_slice %arg7[%dma_wait3A_210, %dma_wait3A_213, %dma_wait3A_214, %dma_wait3A_215] : memref<8x4x8x128xf32, #tpu.memory_space<vmem>> -> memref<1x4x8x128xf32, #tpu.memory_space<vmem>>
    %dma_wait3A_217 = tpu.memref_squeeze %dma_wait3A_216 : memref<1x4x8x128xf32, #tpu.memory_space<vmem>> -> memref<4x8x128xf32, #tpu.memory_space<vmem>>
    %dma_wait3A_218 = arith.constant 0 : i32
    %dma_wait3A_219 = arith.constant 0 : i32
    %dma_wait3A_220 = arith.constant 0 : i32
    %dma_wait3A_221 = tpu.memref_slice %arg4[%dma_wait3A_211, %dma_wait3A_218, %add3A, %dma_wait3A_219, %dma_wait3A_220] : memref<200x4x32x8x128xf32, #tpu.memory_space<hbm>> -> memref<1x4x1x8x128xf32, #tpu.memory_space<hbm>>
    %dma_wait3A_222 = tpu.memref_squeeze %dma_wait3A_221 : memref<1x4x1x8x128xf32, #tpu.memory_space<hbm>> -> memref<4x8x128xf32, #tpu.memory_space<hbm>>
    %dma_wait3A_223 = tpu.memref_slice %arg9[%dma_wait3A_212] : memref<8x!tpu.dma_semaphore, #tpu.memory_space<semaphore_mem>> -> memref<1x!tpu.dma_semaphore, #tpu.memory_space<semaphore_mem>>
    %dma_wait3A_224 = tpu.memref_squeeze %dma_wait3A_223 : memref<1x!tpu.dma_semaphore, #tpu.memory_space<semaphore_mem>> -> memref<!tpu.dma_semaphore, #tpu.memory_space<semaphore_mem>>
    %dma_wait3A_225 = arith.constant 0 : i32
    %dma_wait3A_226 = arith.constant 0 : i32
    %dma_wait3A_227 = arith.constant 0 : i32
    %dma_wait3A_228 = tpu.memref_slice %arg4[%dma_wait3A_211, %dma_wait3A_225, %add3A, %dma_wait3A_226, %dma_wait3A_227] : memref<200x4x32x8x128xf32, #tpu.memory_space<hbm>> -> memref<1x4x1x8x128xf32, #tpu.memory_space<hbm>>
    %dma_wait3A_229 = tpu.memref_squeeze %dma_wait3A_228 : memref<1x4x1x8x128xf32, #tpu.memory_space<hbm>> -> memref<4x8x128xf32, #tpu.memory_space<hbm>>
    %dma_wait3A_230 = arith.constant 0 : i32
    %dma_wait3A_231 = arith.constant 0 : i32
    %dma_wait3A_232 = arith.constant 0 : i32
    %dma_wait3A_233 = tpu.memref_slice %arg7[%dma_wait3A_210, %dma_wait3A_230, %dma_wait3A_231, %dma_wait3A_232] : memref<8x4x8x128xf32, #tpu.memory_space<vmem>> -> memref<1x4x8x128xf32, #tpu.memory_space<vmem>>
    %dma_wait3A_234 = tpu.memref_squeeze %dma_wait3A_233 : memref<1x4x8x128xf32, #tpu.memory_space<vmem>> -> memref<4x8x128xf32, #tpu.memory_space<vmem>>
    tpu.wait_dma2 semaphore(%dma_wait3A_224 : memref<!tpu.dma_semaphore, #tpu.memory_space<semaphore_mem>>) src(%dma_wait3A_234 : memref<4x8x128xf32, #tpu.memory_space<vmem>>) dst(%dma_wait3A_229 : memref<4x8x128xf32, #tpu.memory_space<hbm>>)
    %dma_wait3A_235 = arith.constant 5 : i32
    %dma_wait3A_236 = arith.constant 197 : i32
    %dma_wait3A_237 = arith.constant 5 : i32
    %dma_wait3A_238 = arith.constant 0 : i32
    %dma_wait3A_239 = arith.constant 0 : i32
    %dma_wait3A_240 = arith.constant 0 : i32
    %dma_wait3A_241 = tpu.memref_slice %arg7[%dma_wait3A_235, %dma_wait3A_238, %dma_wait3A_239, %dma_wait3A_240] : memref<8x4x8x128xf32, #tpu.memory_space<vmem>> -> memref<1x4x8x128xf32, #tpu.memory_space<vmem>>
    %dma_wait3A_242 = tpu.memref_squeeze %dma_wait3A_241 : memref<1x4x8x128xf32, #tpu.memory_space<vmem>> -> memref<4x8x128xf32, #tpu.memory_space<vmem>>
    %dma_wait3A_243 = arith.constant 0 : i32
    %dma_wait3A_244 = arith.constant 0 : i32
    %dma_wait3A_245 = arith.constant 0 : i32
    %dma_wait3A_246 = tpu.memref_slice %arg4[%dma_wait3A_236, %dma_wait3A_243, %add3A, %dma_wait3A_244, %dma_wait3A_245] : memref<200x4x32x8x128xf32, #tpu.memory_space<hbm>> -> memref<1x4x1x8x128xf32, #tpu.memory_space<hbm>>
    %dma_wait3A_247 = tpu.memref_squeeze %dma_wait3A_246 : memref<1x4x1x8x128xf32, #tpu.memory_space<hbm>> -> memref<4x8x128xf32, #tpu.memory_space<hbm>>
    %dma_wait3A_248 = tpu.memref_slice %arg9[%dma_wait3A_237] : memref<8x!tpu.dma_semaphore, #tpu.memory_space<semaphore_mem>> -> memref<1x!tpu.dma_semaphore, #tpu.memory_space<semaphore_mem>>
    %dma_wait3A_249 = tpu.memref_squeeze %dma_wait3A_248 : memref<1x!tpu.dma_semaphore, #tpu.memory_space<semaphore_mem>> -> memref<!tpu.dma_semaphore, #tpu.memory_space<semaphore_mem>>
    %dma_wait3A_250 = arith.constant 0 : i32
    %dma_wait3A_251 = arith.constant 0 : i32
    %dma_wait3A_252 = arith.constant 0 : i32
    %dma_wait3A_253 = tpu.memref_slice %arg4[%dma_wait3A_236, %dma_wait3A_250, %add3A, %dma_wait3A_251, %dma_wait3A_252] : memref<200x4x32x8x128xf32, #tpu.memory_space<hbm>> -> memref<1x4x1x8x128xf32, #tpu.memory_space<hbm>>
    %dma_wait3A_254 = tpu.memref_squeeze %dma_wait3A_253 : memref<1x4x1x8x128xf32, #tpu.memory_space<hbm>> -> memref<4x8x128xf32, #tpu.memory_space<hbm>>
    %dma_wait3A_255 = arith.constant 0 : i32
    %dma_wait3A_256 = arith.constant 0 : i32
    %dma_wait3A_257 = arith.constant 0 : i32
    %dma_wait3A_258 = tpu.memref_slice %arg7[%dma_wait3A_235, %dma_wait3A_255, %dma_wait3A_256, %dma_wait3A_257] : memref<8x4x8x128xf32, #tpu.memory_space<vmem>> -> memref<1x4x8x128xf32, #tpu.memory_space<vmem>>
    %dma_wait3A_259 = tpu.memref_squeeze %dma_wait3A_258 : memref<1x4x8x128xf32, #tpu.memory_space<vmem>> -> memref<4x8x128xf32, #tpu.memory_space<vmem>>
    tpu.wait_dma2 semaphore(%dma_wait3A_249 : memref<!tpu.dma_semaphore, #tpu.memory_space<semaphore_mem>>) src(%dma_wait3A_259 : memref<4x8x128xf32, #tpu.memory_space<vmem>>) dst(%dma_wait3A_254 : memref<4x8x128xf32, #tpu.memory_space<hbm>>)
    %dma_wait3A_260 = arith.constant 6 : i32
    %dma_wait3A_261 = arith.constant 198 : i32
    %dma_wait3A_262 = arith.constant 6 : i32
    %dma_wait3A_263 = arith.constant 0 : i32
    %dma_wait3A_264 = arith.constant 0 : i32
    %dma_wait3A_265 = arith.constant 0 : i32
    %dma_wait3A_266 = tpu.memref_slice %arg7[%dma_wait3A_260, %dma_wait3A_263, %dma_wait3A_264, %dma_wait3A_265] : memref<8x4x8x128xf32, #tpu.memory_space<vmem>> -> memref<1x4x8x128xf32, #tpu.memory_space<vmem>>
    %dma_wait3A_267 = tpu.memref_squeeze %dma_wait3A_266 : memref<1x4x8x128xf32, #tpu.memory_space<vmem>> -> memref<4x8x128xf32, #tpu.memory_space<vmem>>
    %dma_wait3A_268 = arith.constant 0 : i32
    %dma_wait3A_269 = arith.constant 0 : i32
    %dma_wait3A_270 = arith.constant 0 : i32
    %dma_wait3A_271 = tpu.memref_slice %arg4[%dma_wait3A_261, %dma_wait3A_268, %add3A, %dma_wait3A_269, %dma_wait3A_270] : memref<200x4x32x8x128xf32, #tpu.memory_space<hbm>> -> memref<1x4x1x8x128xf32, #tpu.memory_space<hbm>>
    %dma_wait3A_272 = tpu.memref_squeeze %dma_wait3A_271 : memref<1x4x1x8x128xf32, #tpu.memory_space<hbm>> -> memref<4x8x128xf32, #tpu.memory_space<hbm>>
    %dma_wait3A_273 = tpu.memref_slice %arg9[%dma_wait3A_262] : memref<8x!tpu.dma_semaphore, #tpu.memory_space<semaphore_mem>> -> memref<1x!tpu.dma_semaphore, #tpu.memory_space<semaphore_mem>>
    %dma_wait3A_274 = tpu.memref_squeeze %dma_wait3A_273 : memref<1x!tpu.dma_semaphore, #tpu.memory_space<semaphore_mem>> -> memref<!tpu.dma_semaphore, #tpu.memory_space<semaphore_mem>>
    %dma_wait3A_275 = arith.constant 0 : i32
    %dma_wait3A_276 = arith.constant 0 : i32
    %dma_wait3A_277 = arith.constant 0 : i32
    %dma_wait3A_278 = tpu.memref_slice %arg4[%dma_wait3A_261, %dma_wait3A_275, %add3A, %dma_wait3A_276, %dma_wait3A_277] : memref<200x4x32x8x128xf32, #tpu.memory_space<hbm>> -> memref<1x4x1x8x128xf32, #tpu.memory_space<hbm>>
    %dma_wait3A_279 = tpu.memref_squeeze %dma_wait3A_278 : memref<1x4x1x8x128xf32, #tpu.memory_space<hbm>> -> memref<4x8x128xf32, #tpu.memory_space<hbm>>
    %dma_wait3A_280 = arith.constant 0 : i32
    %dma_wait3A_281 = arith.constant 0 : i32
    %dma_wait3A_282 = arith.constant 0 : i32
    %dma_wait3A_283 = tpu.memref_slice %arg7[%dma_wait3A_260, %dma_wait3A_280, %dma_wait3A_281, %dma_wait3A_282] : memref<8x4x8x128xf32, #tpu.memory_space<vmem>> -> memref<1x4x8x128xf32, #tpu.memory_space<vmem>>
    %dma_wait3A_284 = tpu.memref_squeeze %dma_wait3A_283 : memref<1x4x8x128xf32, #tpu.memory_space<vmem>> -> memref<4x8x128xf32, #tpu.memory_space<vmem>>
    tpu.wait_dma2 semaphore(%dma_wait3A_274 : memref<!tpu.dma_semaphore, #tpu.memory_space<semaphore_mem>>) src(%dma_wait3A_284 : memref<4x8x128xf32, #tpu.memory_space<vmem>>) dst(%dma_wait3A_279 : memref<4x8x128xf32, #tpu.memory_space<hbm>>)
    %dma_wait3A_285 = arith.constant 7 : i32
    %dma_wait3A_286 = arith.constant 199 : i32
    %dma_wait3A_287 = arith.constant 7 : i32
    %dma_wait3A_288 = arith.constant 0 : i32
    %dma_wait3A_289 = arith.constant 0 : i32
    %dma_wait3A_290 = arith.constant 0 : i32
    %dma_wait3A_291 = tpu.memref_slice %arg7[%dma_wait3A_285, %dma_wait3A_288, %dma_wait3A_289, %dma_wait3A_290] : memref<8x4x8x128xf32, #tpu.memory_space<vmem>> -> memref<1x4x8x128xf32, #tpu.memory_space<vmem>>
    %dma_wait3A_292 = tpu.memref_squeeze %dma_wait3A_291 : memref<1x4x8x128xf32, #tpu.memory_space<vmem>> -> memref<4x8x128xf32, #tpu.memory_space<vmem>>
    %dma_wait3A_293 = arith.constant 0 : i32
    %dma_wait3A_294 = arith.constant 0 : i32
    %dma_wait3A_295 = arith.constant 0 : i32
    %dma_wait3A_296 = tpu.memref_slice %arg4[%dma_wait3A_286, %dma_wait3A_293, %add3A, %dma_wait3A_294, %dma_wait3A_295] : memref<200x4x32x8x128xf32, #tpu.memory_space<hbm>> -> memref<1x4x1x8x128xf32, #tpu.memory_space<hbm>>
    %dma_wait3A_297 = tpu.memref_squeeze %dma_wait3A_296 : memref<1x4x1x8x128xf32, #tpu.memory_space<hbm>> -> memref<4x8x128xf32, #tpu.memory_space<hbm>>
    %dma_wait3A_298 = tpu.memref_slice %arg9[%dma_wait3A_287] : memref<8x!tpu.dma_semaphore, #tpu.memory_space<semaphore_mem>> -> memref<1x!tpu.dma_semaphore, #tpu.memory_space<semaphore_mem>>
    %dma_wait3A_299 = tpu.memref_squeeze %dma_wait3A_298 : memref<1x!tpu.dma_semaphore, #tpu.memory_space<semaphore_mem>> -> memref<!tpu.dma_semaphore, #tpu.memory_space<semaphore_mem>>
    %dma_wait3A_300 = arith.constant 0 : i32
    %dma_wait3A_301 = arith.constant 0 : i32
    %dma_wait3A_302 = arith.constant 0 : i32
    %dma_wait3A_303 = tpu.memref_slice %arg4[%dma_wait3A_286, %dma_wait3A_300, %add3A, %dma_wait3A_301, %dma_wait3A_302] : memref<200x4x32x8x128xf32, #tpu.memory_space<hbm>> -> memref<1x4x1x8x128xf32, #tpu.memory_space<hbm>>
    %dma_wait3A_304 = tpu.memref_squeeze %dma_wait3A_303 : memref<1x4x1x8x128xf32, #tpu.memory_space<hbm>> -> memref<4x8x128xf32, #tpu.memory_space<hbm>>
    %dma_wait3A_305 = arith.constant 0 : i32
    %dma_wait3A_306 = arith.constant 0 : i32
    %dma_wait3A_307 = arith.constant 0 : i32
    %dma_wait3A_308 = tpu.memref_slice %arg7[%dma_wait3A_285, %dma_wait3A_305, %dma_wait3A_306, %dma_wait3A_307] : memref<8x4x8x128xf32, #tpu.memory_space<vmem>> -> memref<1x4x8x128xf32, #tpu.memory_space<vmem>>
    %dma_wait3A_309 = tpu.memref_squeeze %dma_wait3A_308 : memref<1x4x8x128xf32, #tpu.memory_space<vmem>> -> memref<4x8x128xf32, #tpu.memory_space<vmem>>
    tpu.wait_dma2 semaphore(%dma_wait3A_299 : memref<!tpu.dma_semaphore, #tpu.memory_space<semaphore_mem>>) src(%dma_wait3A_309 : memref<4x8x128xf32, #tpu.memory_space<vmem>>) dst(%dma_wait3A_304 : memref<4x8x128xf32, #tpu.memory_space<hbm>>)
    return
  }
}

</mosaic_0001>

<sc_bundles>
// kernel: _embed.3.cloned.1.call-start
scs
__scs_entry_jumppad:
0x0: {  	(pc) =	sbr.rel $0x88, $3  }
0x1: {  	(tag) =	ssettag $0x0;
	lr =	simm.s32 $0x1  }
0x2: {  	[smem:$0x3F9F] =	sst lr;
	_ =	strace $0xD0000000  }
0x3: {  	_ = 	snop  }
0x4: {  	_ = 	snop  }
0x5: {  	_ = 	snop  }
0x6: {  	_ = 	snop  }
0x7: {  	_ = 	snop  }
__scs_overlays_trampoline_lowered:
0x8: {  	[smem:$0x3FAE] =	sst s0  }
0x9: {  	[smem:$0x3FAF] =	sst s1  }
0xa: {  	[smem:$0x3FB0] =	sst s2  }
0xb: {  	[smem:$0x3FB1] =	sst s3  }
0xc: {  	[smem:$0x3FB2] =	sst s4  }
0xd: {  	[smem:$0x3FB3] =	sst s5  }
0xe: {  	[smem:$0x3FB4] =	sst s6  }
0xf: {  	[smem:$0x3FB5] =	sst s7  }
0x10: {  	[smem:$0x3FB6] =	sst s8  }
0x11: {  	[smem:$0x3FB7] =	sst s9;
	s0 =	simm.s32 @!p0 $0x0  }
0x12: {  	s1 =	sld [smem:$0x3F9D];
	s0 =	simm.s32 @p0 $0x1  }
0x13: {  	[smem:$0x3FB8] =	sst s0;
	s0 =	simm.s32 @!p1 $0x0  }
0x14: {  	s2 =	sld [smem:$0x3F9C];
	s0 =	simm.s32 @p1 $0x1  }
0x15: {  	[smem:$0x3FB9] =	sst s0;
	s0 =	simm.s32 @!p2 $0x0  }
0x16: {  	s3 =	sld [smem:$0x3FDB];
	s0 =	simm.s32 @p2 $0x1  }
0x17: {  	s4 =	simm.s32 $0x1BF5;
	[smem:$0x3FBB] =	sst s0  }
0x18: {  	s0 =	sld [smem:$0x3F9E];
	_ =	swait.ge [sflag:s4], $0x0  }
0x19: {  	s7 =	sld [smem:$0x3F9F]  }
0x1a: {  	s8 =	sadd.s32 $0xFFFFE003, lr  }
0x1b: {  	s9 =	sadd.s32 $0xFFFFFEF7, lr;
	s5 =	simm.s32 $0xFFFFFFFF;
	p2 =	slt.u32 s8, $0xFFFFF086  }
0x1c: {  	p1 =	slt.u32 s9, $0xF7A;
	s5 =	simm.s32 @!p2 $0x0  }
0x1d: {  	s5 =	simm.s32 @p1 $0x1;
	p0 =	seq.s32 s7, s2  }
0x1e: {  	s7 =	smul.u32 @!p0 $0xF7A, s2;
	p2 =	seq.s32 @!p0 s5, $0x0  }
0x1f: {  	s9 =	smul.u32 $0xF7A, s1;
	s8 =	simm.s32 @!p0 $0x1BF5;
	p2 =	por !p2, p0  }
0x20: {  	[sflag:s8] =	ssyncset.s32 @!p0 $0xFFFFF086;
	s6 =	sadd.s32 @!p0 s3, s7;
	s7 =	simm.s32 @!p0 $0x108  }
0x21: {  	s3 =	sadd.s32 s3, s9;
	s6 =	sadd.s32 @!p0 $0x88, s6;
	s7 =	simm.s32 @p2 $0x1082  }
0x22: {  	[simem:s7], [sflag:s8] =	dma.local @!p0 [hbm:s6], $0xF7A  }
0x23: {  	s9 =	sor.u32 $0xD0000000, s2;
	s6 =	simm.s32 $0x108;
	_ =	swait.ge @!p0 [sflag:s8], $0x0  }
0x24: {  	s3 =	sadd.s32 $0x88, s3;
	s6 =	simm.s32 @!p1 $0x1082;
	[sflag:s4] =	ssyncset.s32 $0xFFFFF086  }
0x25: {  	[simem:s6], [sflag:s4] =	dma.local [hbm:s3], $0xF7A  }
0x26: {  	[smem:$0x3F9F] =	sst s1;
	(tag) =	ssettag s2;
	_ =	strace s9  }
0x27: {  	s1 =	sld [smem:$0x3FAF]  }
0x28: {  	s2 =	sld [smem:$0x3FB0]  }
0x29: {  	s4 =	sld [smem:$0x3FB2]  }
0x2a: {  	p0 =	seq.s32 s5, $0x0;
	s5 =	sld [smem:$0x3FB3]  }
0x2b: {  	s6 =	sld [smem:$0x3FB4]  }
0x2c: {  	s7 =	sld [smem:$0x3FB5]  }
0x2d: {  	s3 =	simm.s32 $0x108;
	s8 =	sld [smem:$0x3FB6]  }
0x2e: {  	s3 =	simm.s32 @!p0 $0x1082;
	s9 =	sld [smem:$0x3FB7]  }
0x2f: {  	lr =	sadd.s32 s0, s3;
	s0 =	sld [smem:$0x3FAE]  }
0x30: {  	s3 =	sld [smem:$0x3FB1]  }
0x31: {  	[smem:$0x3FBA] =	sst s10  }
0x32: {  	s10 =	sld [smem:$0x3FB8];
	_ =	sdelay $0x3  }
0x33: {  	p0 =	seq.s32 s10, $0x1;
	s10 =	sld [smem:$0x3FBA];
	_ =	sdelay $0x3  }
0x34: {  	[smem:$0x3FBA] =	sst s10  }
0x35: {  	s10 =	sld [smem:$0x3FB9];
	_ =	sdelay $0x3  }
0x36: {  	p1 =	seq.s32 s10, $0x1;
	s10 =	sld [smem:$0x3FBA];
	_ =	sdelay $0x3  }
0x37: {  	[smem:$0x3FBA] =	sst s10  }
0x38: {  	s10 =	sld [smem:$0x3FBB]  }
0x39: {  	_ = 	snop;
	(pc) =	sbr.ind lr, $3  }
0x3a: {  	_ = 	snop  }
0x3b: {  	_ = 	snop  }
0x3c: {  	p2 =	seq.s32 s10, $0x1;
	s10 =	sld [smem:$0x3FBA]  }
0x3d: {  	_ =	shalt  }
0x3e: {  	_ =	shalt  }
0x3f: {  	_ =	shalt  }
0x40: {  	_ =	shalt  }
0x41: {  	_ =	shalt  }
0x42: {  	_ =	shalt  }
0x43: {  	_ =	shalt  }
0x44: {  	_ =	shalt  }
0x45: {  	_ =	shalt  }
0x46: {  	_ =	shalt  }
0x47: {  	_ =	shalt  }
0x48: {  	_ =	shalt  }
0x49: {  	_ =	shalt  }
0x4a: {  	_ =	shalt  }
0x4b: {  	_ =	shalt  }
0x4c: {  	_ =	shalt  }
0x4d: {  	_ =	shalt  }
0x4e: {  	_ =	shalt  }
0x4f: {  	_ =	shalt  }
0x50: {  	_ =	shalt  }
0x51: {  	_ =	shalt  }
0x52: {  	_ =	shalt  }
0x53: {  	_ =	shalt  }
0x54: {  	_ =	shalt  }
0x55: {  	_ =	shalt  }
0x56: {  	_ =	shalt  }
0x57: {  	_ =	shalt  }
0x58: {  	_ =	shalt  }
0x59: {  	_ =	shalt  }
0x5a: {  	_ =	shalt  }
0x5b: {  	_ =	shalt  }
0x5c: {  	_ =	shalt  }
0x5d: {  	_ =	shalt  }
0x5e: {  	_ =	shalt  }
0x5f: {  	_ =	shalt  }
0x60: {  	_ =	shalt  }
0x61: {  	_ =	shalt  }
0x62: {  	_ =	shalt  }
0x63: {  	_ =	shalt  }
0x64: {  	_ =	shalt  }
0x65: {  	_ =	shalt  }
0x66: {  	_ =	shalt  }
0x67: {  	_ =	shalt  }
0x68: {  	_ =	shalt  }
0x69: {  	_ =	shalt  }
0x6a: {  	_ =	shalt  }
0x6b: {  	_ =	shalt  }
0x6c: {  	_ =	shalt  }
0x6d: {  	_ =	shalt  }
0x6e: {  	_ =	shalt  }
0x6f: {  	_ =	shalt  }
0x70: {  	_ =	shalt  }
0x71: {  	_ =	shalt  }
0x72: {  	_ =	shalt  }
0x73: {  	_ =	shalt  }
0x74: {  	_ =	shalt  }
0x75: {  	_ =	shalt  }
0x76: {  	_ =	shalt  }
0x77: {  	_ =	shalt  }
0x78: {  	_ =	shalt  }
0x79: {  	_ =	shalt  }
0x7a: {  	_ =	shalt  }
0x7b: {  	_ =	shalt  }
0x7c: {  	_ =	shalt  }
0x7d: {  	_ =	shalt  }
0x7e: {  	_ =	shalt  }
0x7f: {  	_ =	shalt  }
0x80: {  	_ =	shalt  }
0x81: {  	_ =	shalt  }
0x82: {  	_ =	shalt  }
0x83: {  	_ =	shalt  }
0x84: {  	_ =	shalt  }
0x85: {  	_ =	shalt  }
0x86: {  	_ =	shalt  }
0x87: {  	_ =	shalt  }
.Lfunc_end0:
.L_simem_size_0:
called_computation_lowered:
.L_overlay_start_0:
0x88: {  	s2 =	sld [smem:$0x3FD9]  }
0x89: {  	s3 =	sld [smem:$0x3FFE];
	_ =	sdelay $0x1  }
0x8a: {  	s1 =	srdreg.scid  }
0x8b: {  	s0 =	sand.u32 $0x1, s1  }
0x8c: {  	s17 =	sshll.u32 s0, $0xA;
	s2 =	sadd.s32 s3, s2  }
0x8d: {  	s2 =	sadd.s32 s2, s17  }
0x8e: {  	[smem:$0x3FC6] =	sst s2  }
0x8f: {  	_ = 	snop  }
0x90: {  	s2 =	sld [smem:$0x3FD0];
	(tm) =	ssettm $0x1  }
0x91: {  	s18 =	sld [smem:$0x3FFB];
	_ =	sdelay $0x3  }
0x92: {  	_ =	strace s18  }
0x93: {  	s3 =	sld [smem:$0x3FFC];
	_ =	sdelay $0x3  }
0x94: {  	_ =	strace s3  }
0x95: {  	s3 =	sld [smem:$0x3FFD];
	_ =	sdelay $0x3  }
0x96: {  	_ =	strace s3  }
0x97: {  	_ =	strace $0x8FFFFFFF  }
0x98: {  	s19 =	sld [smem:$0x3FDB];
	_ =	sdelay $0x1  }
0x99: {  	s4 =	simm.s32 $_scs_section_size  }
0x9a: {  	s5 =	simm.s32 $_size__tile_overlayer_lowered;
	s6 =	simm.s32 $_tile_overlayer_lowered  }
0x9b: {  	s22 =	simm.s32 $0x1BFF;
	s21 =	sshll.u32 s6, $0x1;
	s3 =	sadd.s32 s4, s19  }
0x9c: {  	s7 =	simm.s32 $0x0;
	s20 =	sshll.u32 s5, $0x1;
	s5 =	sadd.s32 s21, s3  }
0x9d: {  	[timem:s7], [sflag:s22] =	dma.local [hbm:s5], s20  }
0x9e: {  	_ =	swait.ge [sflag:s22], s20  }
0x9f: {  	s4 =	ssub.s32 $0x0, s20;
	[sflag:s22] =	ssyncset.done $0x0  }
0xa0: {  	[sflag:s22] =	ssyncadd.s32 s4;
	_ =	sdelay $0x1  }
0xa1: {  	s23 =	simm.s32 $0x1B8B  }
0xa2: {  	_ =	swait.ge [sflag:s23], $0x1  }
0xa3: {  	[sflag:s23] =	ssyncset.done $0x0  }
0xa4: {  	s25 =	simm.s32 $0x1B8E;
	s24 =	sld [smem:$0x3FFE];
	[sflag:s23] =	ssyncadd.s32 $0xFFFFFFFF  }
0xa5: {  	s26 =	simm.s32 $execute0_lowered;
	[smem:$0x3FD2] =	sst s25  }
0xa6: {  	s5 =	sshll.u32 s26, $0x1;
	_ =	strace $0x80000046;
	[dreg:$0x1] =	wrdreg $0xFFFFFFFF  }
0xa7: {  	s28 =	simm.s32 $_size_execute0_lowered;
	s3 =	sadd.s32 s3, s5;
	[dreg:$0x0] =	wrdreg $0x0  }
0xa8: {  	s5 =	sshll.u32 s28, $0x1;
	[dreg:$0x2] =	wrdreg s3  }
0xa9: {  	[dreg:$0x3] =	wrdreg s5  }
0xaa: {  	[dreg:$0x4] =	wrdreg $0xC0  }
0xab: {  	_ =	task [dreg:s7], $0x5FFFF  }
0xac: {  	[dreg:$0x1] =	wrdreg $0xFFFFFFFF  }
0xad: {  	[dreg:$0x0] =	wrdreg $0x60  }
0xae: {  	[dreg:$0x2] =	wrdreg s24  }
0xaf: {  	[dreg:$0x3] =	wrdreg s2  }
0xb0: {  	[dreg:$0x4] =	wrdreg $0x9  }
0xb1: {  	_ =	task.clear_ibuf [dreg:s7], $0x5FFFF;
	_ =	strace $0x90000046  }
0xb2: {  	s29 =	simm.s32 $0x9;
	_ =	strace $0x80000048  }
0xb3: {  	_ =	swait.ge [sflag:s29], $0x1  }
0xb4: {  	[sflag:s29] =	ssyncadd.s32 $0xFFFFFFFF  }
0xb5: {  	_ =	strace $0x90000048  }
0xb6: {  	_ =	sfence  }
0xb7: {  	s30 =	sld [smem:$0x0];
	_ =	sdelay $0x2  }
0xb8: {  	s31 =	sshll.u32 s1, $0xD;
	s1 =	sshrl.u32 s1, $0x2  }
0xb9: {  	s3 =	sand.u32 $0x4000, s31;
	s1 =	sadd.s32 s1, s30  }
0xba: {  	s0 =	sor.u32 s3, s0;
	s1 =	sshll.u32 s1, $0x11  }
0xbb: {  	s0 =	sor.u32 s1, s0  }
0xbc: {  	s0 =	sadd.s32 $0x8F2B, s0  }
0xbd: {  	[sflag:s0] =	ssyncadd.remote.s32 $0x1  }
0xbe: {  	_ =	sfence.sel $0xFFFF  }
0xbf: {  	[dreg:$0x0] =	wrdreg $0xFFFFFFFF;
	(pc) =	sbr.abs _section_cstart, $3  }
0xc0: {  	[dreg:$0x1] =	wrdreg $0xFFFFFFFF  }
0xc1: {  	_ =	task.clear_ibuf [dreg:s7], $0x2FFFF;
	_ =	strace $0x9FFFFFFF  }
0xc2: {  	(tm) =	ssettm $0x7FFFFFFF  }
0xc3: {  	_ =	shalt  }
tec
execute0_lowered:
.L_overlay_start_1:
0x0: {  	(tag) =	ssettag $0x1  }
0x1: {  	s0 =	rddreg [dreg:$0x0];
	s1 =	srdreg.scid  }
0x2: {  	s2 =	stileid.u32;
	s5 =	rddreg [dreg:$0x1]  }
0x3: {  	s25 =	simm.s32 $0x0;
	s9 =	simm.s32 $0x11;
	s10 =	simm.s32 $0x6400  }
0x4: {  	s22 =	simm.s32 $0x400;
	s23 =	simm.s32 $0x8000;
	s24 =	simm.s32 $0x9  }
0x5: {  	s28 =	simm.s32 $0xC;
	s29 =	simm.s32 $0xD;
	s30 =	simm.s32 $0xE  }
0x6: {  	s31 =	simm.s32 $0xF;
	s1 =	sand.u32 $0x1, s1;
	s3 =	sshll.u32 s2, $0x1  }
0x7: {  	v0 =	vlaneseq.u32;
	[smem:$0x7FF] =	sst s25;
	s25 =	simm.s32 $0xA;
	s4 =	sor.u32 s1, s3  }
0x8: {  	v0 =	vmul.u32 $0x20, v0;
	_ =	strace $0x80000047;
	s1 =	ssub.s32 $0x2, s1;
	s3 =	sshll.u32 s4, $0x4  }
0x9: {  	s26 =	sshrl.u32 s1, $0x1;
	s7 =	sshll.u32 s4, $0x7;
	s6 =	sadd.s32 s3, s0  }
0xa: {  	v1 =	vor.u32 $0x200, v0;
	s3 =	sadd.s32 $0xF42A00, s0;
	s0 =	ssub.s32 s1, s26;
	s5 =	sadd.s32 s5, s7  }
0xb: {  	v2 =	vor.u32 $0x400, v0;
	v3 =	vor.u32 $0x600, v0;
	v4 =	vor.u32 $0x800, v0;
	s7 =	simm.s32 $0x80;
	s26 =	simm.s32 $0xB;
	s1 =	simm.s32 $0x10  }
0xc: {  	v5 =	vor.u32 $0xA00, v0;
	v6 =	vor.u32 $0xC00, v0;
	v7 =	vor.u32 $0xE00, v0;
	s4 =	sadd.s32 $0x600, s6;
	s6 =	smax.u32 s0, $0x1;
	s0 =	simm.s32 $0x0  }
.LBB2_1:
0xd: {  	s2 =	simm.s32 $0x0;
	s8 =	simm.s32 $0x1000  }
0xe: {  	[tilespmem:s2], [sflag:$0x11] =	stream.strided.gather [hbm4b:s4+s7], $0x6400, s8, s7, $0x38;
	[tilespmem:$0x16400] =	vst v63  }
0xf: {  	_ =	swait.ge [sflag:s9], $0x6400  }
0x10: {  	[sflag:s9] =	ssyncset.done $0x0  }
0x11: {  	[sflag:s9] =	ssyncadd.s32 $0xFFFF9C00  }
0x12: {  	[tilespmem:s10], [sflag:$0x1] =	stream.indirect.gather [hbm4b:s3+s7], $0x20, s2, s7, $0xb8;
	[tilespmem:$0x16400] =	vst v63  }
0x13: {  	s11 =	simm.s32 $0x7400  }
0x14: {  	[tilespmem:s11], [sflag:$0x2] =	stream.indirect.gather [hbm4b:s3+s7], $0x20, s7, s7, $0xb8;
	[tilespmem:$0x16400] =	vst v63  }
0x15: {  	s12 =	simm.s32 $0x100;
	s13 =	simm.s32 $0x8400  }
0x16: {  	[tilespmem:s13], [sflag:$0x3] =	stream.indirect.gather [hbm4b:s3+s7], $0x20, s12, s7, $0xb8;
	[tilespmem:$0x16400] =	vst v63  }
0x17: {  	s14 =	simm.s32 $0x180;
	s15 =	simm.s32 $0x9400  }
0x18: {  	[tilespmem:s15], [sflag:$0x4] =	stream.indirect.gather [hbm4b:s3+s7], $0x20, s14, s7, $0xb8;
	[tilespmem:$0x16400] =	vst v63  }
0x19: {  	s16 =	simm.s32 $0x200;
	s17 =	simm.s32 $0xA400  }
0x1a: {  	[tilespmem:s17], [sflag:$0x5] =	stream.indirect.gather [hbm4b:s3+s7], $0x20, s16, s7, $0xb8;
	[tilespmem:$0x16400] =	vst v63  }
0x1b: {  	s18 =	simm.s32 $0x280;
	s19 =	simm.s32 $0xB400  }
0x1c: {  	[tilespmem:s19], [sflag:$0x6] =	stream.indirect.gather [hbm4b:s3+s7], $0x20, s18, s7, $0xb8;
	[tilespmem:$0x16400] =	vst v63  }
0x1d: {  	s20 =	simm.s32 $0x300;
	s21 =	simm.s32 $0xC400;
	s8 =	simm.s32 $0x0  }
0x1e: {  	[tilespmem:s21], [sflag:$0x7] =	stream.indirect.gather [hbm4b:s3+s7], $0x20, s20, s7, $0xb8;
	[tilespmem:$0x16400] =	vst v63  }
.LBB2_2:
0x1f: {  	p0 =	sgt.u32 s8, $0xC0  }
0x20: {  	s11 =	sand.u32 $0x7, s8;
	s12 =	sadd.s32 @!p0 $0x7, s8  }
0x21: {  	s15 =	simm.s32 $0x3;
	s16 =	sshll.u32 s11, $0xC;
	s13 =	sand.u32 @!p0 $0x7, s12  }
0x22: {  	v9 =	vmov s15;
	s15 =	simm.s32 @!p0 $0x80;
	s12 =	sshll.u32 @!p0 s12, $0x7;
	s14 =	sshll.u32 @!p0 s13, $0xC  }
0x23: {  	v8 =	vmov s16;
	v9 =	vand.u32 $0x1F, v9;
	s12 =	sand.u32 @!p0 $0x3FFFFF80, s12;
	s13 =	sadd.s32 @!p0 $0x1, s13;
	s14 =	sadd.s32 @!p0 $0x6400, s14  }
0x24: {  	v9 =	vor.u32 v8, v9;
	[tilespmem:s14], [sflag:s13] =	stream.indirect.gather @!p0 [hbm4b:s3+s15], $0x20, s12, s15, $0xb8;
	[tilespmem:$0x16400] =	vst v63  }
0x25: {  	v9 =	vbroadcast v9, $0x0;
	s15 =	sadd.s32 $0x1, s11  }
0x26: {  	s17 =	simm.s32 $0x2;
	_ =	swait.ge [sflag:s15], $0x1000  }
0x27: {  	v10 =	vmov s17;
	p0 =	slt.u32 s8, $0x8;
	v11 =	vor.u32 v0, v9;
	[sflag:s15] =	ssyncset.done $0x0  }
0x28: {  	v10 =	vand.u32 $0x1E, v10;
	s12 =	sadd.s32 @!p0 $0x9, s11;
	v12 =	vor.u32 v1, v9;
	[sflag:s15] =	ssyncadd.s32 $0xFFFFF000  }
0x29: {  	v10 =	vor.u32 v8, v10;
	v13 =	vor.u32 v5, v9;
	_ =	swait.ge @!p0 [sflag:s12], $0x1000  }
0x2a: {  	v10 =	vbroadcast v10, $0x0;
	v14 =	vor.u32 v6, v9;
	[sflag:s12] =	ssyncset.done @!p0 $0x0  }
0x2b: {  	v15 =	vor.u32 v2, v9;
	[sflag:s12] =	ssyncadd.s32 @!p0 $0xFFFFF000  }
0x2c: {  	v16 =	vor.u32 v0, v10;
	v11 =	vld.idx.msk [tilespmem:v11+s10+$0x0], $0xffff  }
0x2d: {  	s18 =	simm.s32 $0x0;
	v17 =	vor.u32 v4, v9;
	v12 =	vld.idx.msk [tilespmem:v12+s10+$0x0], $0xffff  }
0x2e: {  	s19 =	sand.u32 $0x3000, s18;
	v18 =	vor.u32 v7, v9;
	v9 =	vor.u32 v3, v9;
	v13 =	vld.idx.msk [tilespmem:v13+s10+$0x0], $0xffff  }
0x2f: {  	s13 =	simm.s32 $0x180;
	s14 =	sshrl.u32 s19, $0x2;
	v23 =	vor.u32 v1, v10;
	s12 =	sadd.s32 $0xE400, s16;
	v14 =	vld.idx.msk [tilespmem:v14+s10+$0x0], $0xffff  }
0x30: {  	s21 =	sand.u32 $0x380, s13;
	v15 =	vld.idx.msk [tilespmem:v15+s10+$0x0], $0xffff;
	s14 =	sadd.s32 s14, s12  }
0x31: {  	v24 =	vor.u32 v6, v10;
	v16 =	vld.idx.msk [tilespmem:v16+s10+$0x0], $0xffff;
	s2 =	sadd.s32 s21, s14  }
0x32: {  	s20 =	simm.s32 $0x0;
	v19 =	vor.u32 v7, v10;
	v17 =	vld.idx.msk [tilespmem:v17+s10+$0x0], $0xffff;
	[tilespmem:s2+$0x10] =	vst v12  }
0x33: {  	v21 =	vmov s20;
	v22 =	vor.u32 v2, v10;
	v25 =	vld.idx.msk [tilespmem:v9+s10+$0x0], $0xffff;
	[tilespmem:s2+$0x50] =	vst v13  }
0x34: {  	v21 =	vand.u32 $0x1C, v21;
	v9 =	vor.u32 v5, v10;
	v23 =	vld.idx.msk [tilespmem:v23+s10+$0x0], $0xffff;
	[tilespmem:s2+$0x60] =	vst v14  }
0x35: {  	s18 =	simm.s32 $0x100;
	v20 =	vor.u32 v4, v10;
	v12 =	vld.idx.msk [tilespmem:v18+s10+$0x0], $0xffff;
	v18 =	vor.u32 v8, v21;
	[tilespmem:s2+$0x20] =	vst v15  }
0x36: {  	s16 =	sand.u32 $0x300, s18;
	v10 =	vor.u32 v3, v10;
	v27 =	vld.idx.msk [tilespmem:v24+s10+$0x0], $0xffff;
	[tilespmem:s2+$0x0] =	vst v11;
	v13 =	vbroadcast v18, $0x0  }
0x37: {  	s20 =	sadd.s32 s16, s14;
	v21 =	vld.idx.msk [tilespmem:v19+s10+$0x0], $0xffff;
	[tilespmem:s2+$0x40] =	vst v17  }
0x38: {  	v19 =	vld.idx.msk [tilespmem:v22+s10+$0x0], $0xffff;
	[tilespmem:s20+$0x0] =	vst v16;
	v15 =	vor.u32 v1, v13  }
0x39: {  	s17 =	simm.s32 $0x1;
	v29 =	vld.idx.msk [tilespmem:v9+s10+$0x0], $0xffff;
	[tilespmem:s2+$0x30] =	vst v25;
	v11 =	vor.u32 v2, v13  }
0x3a: {  	v14 =	vmov s17;
	[tilespmem:s20+$0x10] =	vst v23;
	v18 =	vld.idx.msk [tilespmem:v20+s10+$0x0], $0xffff;
	v17 =	vor.u32 v3, v13  }
0x3b: {  	v22 =	vld.idx.msk [tilespmem:v10+s10+$0x0], $0xffff;
	[tilespmem:s20+$0x60] =	vst v27;
	v14 =	vand.u32 $0x1D, v14;
	v28 =	vor.u32 v7, v13  }
0x3c: {  	v14 =	vor.u32 v8, v14;
	v9 =	vor.u32 v0, v13;
	v30 =	vor.u32 v6, v13;
	[tilespmem:s2+$0x70] =	vst v12  }
0x3d: {  	v12 =	vbroadcast v14, $0x0;
	v14 =	vor.u32 v4, v13;
	v13 =	vor.u32 v5, v13;
	[tilespmem:s20+$0x20] =	vst v19;
	v24 =	vld.idx.msk [tilespmem:v15+s10+$0x0], $0xffff  }
0x3e: {  	[tilespmem:s20+$0x50] =	vst v29;
	v25 =	vld.idx.msk [tilespmem:v11+s10+$0x0], $0xffff  }
0x3f: {  	s19 =	simm.s32 $0x0;
	[tilespmem:s20+$0x40] =	vst v18;
	v16 =	vor.u32 v0, v12;
	v18 =	vor.u32 v1, v12;
	v26 =	vld.idx.msk [tilespmem:v17+s10+$0x0], $0xffff  }
0x40: {  	s15 =	simm.s32 $0x0;
	s18 =	simm.s32 $0x800;
	s21 =	sand.u32 $0x200, s19;
	v10 =	vor.u32 v2, v12;
	v20 =	vor.u32 v3, v12;
	v19 =	vor.u32 v4, v12;
	v23 =	vld.idx.msk [tilespmem:v28+s10+$0x0], $0xffff  }
0x41: {  	s16 =	simm.s32 $0x380;
	s19 =	sadd.s32 s21, s14;
	s17 =	simm.s32 $0x7;
	v11 =	vor.u32 v5, v12;
	v17 =	vor.u32 v6, v12;
	v12 =	vor.u32 v7, v12;
	v15 =	vld.idx.msk [tilespmem:v30+s10+$0x0], $0xffff  }
.LBB2_3:
0x42: {  	s21 =	sadd.s32 $0xFFFFFFFD, s17;
	s2 =	sadd.s32 $0xFFFFFFFF, s17;
	v27 =	vmov s17;
	s15 =	sadd.s32 $0x20, s15;
	v28 =	vld.idx.msk [tilespmem:v13+s10+$0x0], $0xffff;
	[tilespmem:s20+$0x70] =	vst v21  }
0x43: {  	v13 =	vmov s21;
	v21 =	vmov s2;
	v27 =	vand.u32 $0x1F, v27;
	p0 =	slt.u32 s15, $0xE0;
	[tilespmem:s19+$0x10] =	vst v24;
	v14 =	vld.idx.msk [tilespmem:v14+s10+$0x0], $0xffff  }
0x44: {  	v13 =	vand.u32 $0x1C, v13;
	v21 =	vand.u32 $0x1E, v21;
	v24 =	vor.u32 v8, v27;
	[tilespmem:s19+$0x20] =	vst v25;
	v16 =	vld.idx.msk [tilespmem:v16+s10+$0x0], $0xffff  }
0x45: {  	v13 =	vor.u32 v8, v13;
	v21 =	vor.u32 v8, v21;
	v24 =	vbroadcast v24, $0x0;
	[tilespmem:s19+$0x30] =	vst v26;
	v18 =	vld.idx.msk [tilespmem:v18+s10+$0x0], $0xffff  }
0x46: {  	v21 =	vbroadcast v21, $0x0;
	v20 =	vld.idx.msk [tilespmem:v20+s10+$0x0], $0xffff;
	[tilespmem:s20+$0x30] =	vst v22  }
0x47: {  	v22 =	vbroadcast v13, $0x0;
	v25 =	vor.u32 v0, v24;
	v26 =	vor.u32 v1, v24;
	[tilespmem:s19+$0x70] =	vst v23;
	v19 =	vld.idx.msk [tilespmem:v19+s10+$0x0], $0xffff  }
0x48: {  	s2 =	sadd.s32 $0xFFFFFF00, s13;
	s13 =	smov.u32 s16;
	v29 =	vor.u32 v2, v24;
	v23 =	vor.u32 v0, v21;
	v27 =	vor.u32 v3, v21;
	v30 =	vld.idx.msk [tilespmem:v17+s10+$0x0], $0xffff  }
0x49: {  	s2 =	sand.u32 $0x280, s2;
	v32 =	vor.u32 v4, v24;
	v13 =	vor.u32 v0, v22;
	v31 =	vor.u32 v1, v22;
	[tilespmem:s19+$0x40] =	vst v14  }
0x4a: {  	s21 =	sadd.s32 $0xFFFFFFFE, s17;
	s20 =	sadd.s32 s2, s14;
	v33 =	vor.u32 v2, v22;
	v34 =	vor.u32 v1, v21;
	v17 =	vor.u32 v5, v24;
	v10 =	vld.idx.msk [tilespmem:v10+s10+$0x0], $0xffff  }
0x4b: {  	v36 =	vmov s21;
	v37 =	vor.u32 v6, v24;
	v35 =	vor.u32 v3, v22;
	v38 =	vld.idx.msk [tilespmem:v9+s10+$0x0], $0xffff;
	[tilespmem:s20+$0x10] =	vst v18;
	v9 =	vmovc v13  }
0x4c: {  	v14 =	vor.u32 v4, v22;
	v18 =	vand.u32 $0x1D, v36;
	v36 =	vor.u32 v3, v24;
	[tilespmem:s20+$0x0] =	vst v16;
	v11 =	vld.idx.msk [tilespmem:v11+s10+$0x0], $0xffff  }
0x4d: {  	v13 =	vor.u32 v5, v22;
	v24 =	vor.u32 v7, v24;
	v16 =	vor.u32 v8, v18;
	v12 =	vld.idx.msk [tilespmem:v12+s10+$0x0], $0xffff  }
0x4e: {  	s2 =	sand.u32 $0x3000, s18;
	v39 =	vor.u32 v6, v22;
	v41 =	vor.u32 v6, v21;
	v40 =	vbroadcast v16, $0x0;
	v25 =	vld.idx.msk [tilespmem:v25+s10+$0x0], $0xffff;
	[tilespmem:s20+$0x30] =	vst v20  }
0x4f: {  	s2 =	sshrl.u32 s2, $0x2;
	v42 =	vor.u32 v7, v22;
	v43 =	vor.u32 v5, v21;
	v22 =	vor.u32 v2, v21;
	[tilespmem:s20+$0x40] =	vst v19  }
0x50: {  	s14 =	sadd.s32 s2, s12;
	v44 =	vor.u32 v4, v21;
	s2 =	sand.u32 $0x380, s16;
	v21 =	vor.u32 v7, v21;
	v16 =	vor.u32 v0, v40;
	[tilespmem:s20+$0x20] =	vst v10  }
0x51: {  	s2 =	sadd.s32 s2, s14;
	v18 =	vor.u32 v1, v40;
	v26 =	vld.idx.msk [tilespmem:v26+s10+$0x0], $0xffff;
	[tilespmem:s19+$0x60] =	vst v15  }
0x52: {  	v10 =	vor.u32 v2, v40;
	v15 =	vld.idx.msk [tilespmem:v17+s10+$0x0], $0xffff;
	[tilespmem:s19+$0x50] =	vst v28  }
0x53: {  	v20 =	vor.u32 v3, v40;
	v28 =	vld.idx.msk [tilespmem:v37+s10+$0x0], $0xffff;
	[tilespmem:s19+$0x0] =	vst v38  }
0x54: {  	v19 =	vor.u32 v4, v40;
	v29 =	vld.idx.msk [tilespmem:v29+s10+$0x0], $0xffff;
	[tilespmem:s20+$0x50] =	vst v11  }
0x55: {  	v11 =	vor.u32 v5, v40;
	v23 =	vld.idx.msk [tilespmem:v23+s10+$0x0], $0xffff;
	[tilespmem:s20+$0x70] =	vst v12  }
0x56: {  	v17 =	vor.u32 v6, v40;
	s19 =	sadd.s32 $0xFFFFFF80, s16;
	v32 =	vld.idx.msk [tilespmem:v32+s10+$0x0], $0xffff;
	[tilespmem:s20+$0x60] =	vst v30  }
0x57: {  	s19 =	sand.u32 $0x300, s19;
	v12 =	vor.u32 v7, v40;
	[tilespmem:s2+$0x10] =	vst v26;
	v24 =	vld.idx.msk [tilespmem:v24+s10+$0x0], $0xffff  }
0x58: {  	s20 =	sadd.s32 s19, s14;
	v26 =	vld.idx.msk [tilespmem:v36+s10+$0x0], $0xffff;
	[tilespmem:s2+$0x50] =	vst v15  }
0x59: {  	v21 =	vld.idx.msk [tilespmem:v21+s10+$0x0], $0xffff;
	[tilespmem:s2+$0x60] =	vst v28  }
0x5a: {  	v15 =	vld.idx.msk [tilespmem:v44+s10+$0x0], $0xffff;
	[tilespmem:s2+$0x20] =	vst v29  }
0x5b: {  	v28 =	vld.idx.msk [tilespmem:v22+s10+$0x0], $0xffff;
	[tilespmem:s2+$0x0] =	vst v25  }
0x5c: {  	v29 =	vld.idx.msk [tilespmem:v34+s10+$0x0], $0xffff;
	[tilespmem:s2+$0x40] =	vst v32  }
0x5d: {  	[tilespmem:s20+$0x0] =	vst v23;
	v30 =	vld.idx.msk [tilespmem:v41+s10+$0x0], $0xffff  }
0x5e: {  	v32 =	vld.idx.msk [tilespmem:v43+s10+$0x0], $0xffff;
	[tilespmem:s2+$0x70] =	vst v24  }
0x5f: {  	v22 =	vld.idx.msk [tilespmem:v27+s10+$0x0], $0xffff;
	[tilespmem:s2+$0x30] =	vst v26  }
.Ltmp0:
0x60: {  	v24 =	vld.idx.msk [tilespmem:v31+s10+$0x0], $0xffff;
	[tilespmem:s20+$0x40] =	vst v15;
	(pc) =	sbr.rel @p0 .LBB2_3-.Ltmp0, $4  }
0x61: {  	s2 =	sadd.s32 $0xFFFFFE80, s16;
	v25 =	vld.idx.msk [tilespmem:v33+s10+$0x0], $0xffff;
	[tilespmem:s20+$0x20] =	vst v28  }
0x62: {  	s2 =	sand.u32 $0x200, s2;
	v26 =	vld.idx.msk [tilespmem:v35+s10+$0x0], $0xffff;
	[tilespmem:s20+$0x10] =	vst v29  }
0x63: {  	s19 =	sadd.s32 s2, s14;
	v23 =	vld.idx.msk [tilespmem:v42+s10+$0x0], $0xffff;
	[tilespmem:s20+$0x60] =	vst v30  }
0x64: {  	s17 =	sadd.s32 $0x4, s17;
	s18 =	sadd.s32 $0x800, s18;
	s16 =	sadd.s32 $0x200, s16;
	v15 =	vld.idx.msk [tilespmem:v39+s10+$0x0], $0xffff;
	[tilespmem:s20+$0x50] =	vst v32  }
0x65: {  	_ =	sdelay $0x1  }
0x66: {  	[tilespmem:s20+$0x70] =	vst v21  }
0x67: {  	[tilespmem:s19+$0x10] =	vst v24  }
0x68: {  	v8 =	vld.idx.msk [tilespmem:v14+s10+$0x0], $0xffff;
	[tilespmem:s20+$0x30] =	vst v22  }
0x69: {  	v61 =	vld.idx.msk [tilespmem:v18+s10+$0x0], $0xffff;
	[tilespmem:s19+$0x20] =	vst v25  }
0x6a: {  	v16 =	vld.idx.msk [tilespmem:v16+s10+$0x0], $0xffff;
	[tilespmem:s19+$0x30] =	vst v26  }
0x6b: {  	s2 =	sadd.s32 $0xFFFFFF00, s13;
	v63 =	vld.idx.msk [tilespmem:v13+s10+$0x0], $0xffff;
	[tilespmem:s19+$0x70] =	vst v23  }
0x6c: {  	v9 =	vld.idx.msk [tilespmem:v9+s10+$0x0], $0xffff;
	s2 =	sand.u32 $0x280, s2;
	[tilespmem:s19+$0x60] =	vst v15  }
0x6d: {  	s2 =	sadd.s32 s2, s14;
	[tilespmem:s19+$0x40] =	vst v8;
	v8 =	vld.idx.msk [tilespmem:v10+s10+$0x0], $0xffff  }
0x6e: {  	v62 =	vld.idx.msk [tilespmem:v20+s10+$0x0], $0xffff;
	[tilespmem:s2+$0x10] =	vst v61  }
0x6f: {  	v19 =	vld.idx.msk [tilespmem:v19+s10+$0x0], $0xffff;
	[tilespmem:s2+$0x0] =	vst v16  }
0x70: {  	v11 =	vld.idx.msk [tilespmem:v11+s10+$0x0], $0xffff;
	[tilespmem:s19+$0x50] =	vst v63  }
0x71: {  	v12 =	vld.idx.msk [tilespmem:v12+s10+$0x0], $0xffff;
	[tilespmem:s19+$0x0] =	vst v9  }
0x72: {  	s19 =	sshll.u32 s8, $0xE;
	s8 =	sadd.s32 $0x1, s8;
	[tilespmem:s2+$0x20] =	vst v8;
	v8 =	vld.idx.msk [tilespmem:v17+s10+$0x0], $0xffff  }
0x73: {  	[tilespmem:s2+$0x30] =	vst v62;
	p0 =	sne.s32 s8, $0xC8  }
.Ltmp1:
0x74: {  	[tilespmem:s2+$0x40] =	vst v19;
	(pc) =	sbr.rel @p0 .LBB2_2-.Ltmp1, $4  }
0x75: {  	[tilespmem:s2+$0x50] =	vst v11  }
0x76: {  	[tilespmem:s2+$0x70] =	vst v12  }
0x77: {  	s20 =	sadd.s32 $0x9, s11;
	s21 =	sadd.s32 s19, s5;
	[tilespmem:s2+$0x60] =	vst v8  }
0x78: {  	[hbm4b:s21+s22] =	stream.strided.scatter [tilespmem:s12], [sflag:s20], $0x1000, s23, s22, $0x38;
	[tilespmem:$0x16400] =	vst v63  }
0x79: {  	_ =	swait.ge [sflag:s24], $0x1000  }
0x7a: {  	[sflag:s24] =	ssyncset.done $0x0  }
0x7b: {  	[sflag:s24] =	ssyncadd.s32 $0xFFFFF000  }
0x7c: {  	_ =	swait.ge [sflag:s25], $0x1000  }
0x7d: {  	[sflag:s25] =	ssyncset.done $0x0  }
0x7e: {  	[sflag:s25] =	ssyncadd.s32 $0xFFFFF000  }
0x7f: {  	_ =	swait.ge [sflag:s26], $0x1000  }
0x80: {  	[sflag:s26] =	ssyncset.done $0x0  }
0x81: {  	[sflag:s26] =	ssyncadd.s32 $0xFFFFF000  }
0x82: {  	_ =	swait.ge [sflag:s28], $0x1000  }
0x83: {  	[sflag:s28] =	ssyncset.done $0x0  }
0x84: {  	[sflag:s28] =	ssyncadd.s32 $0xFFFFF000  }
0x85: {  	_ =	swait.ge [sflag:s29], $0x1000  }
0x86: {  	[sflag:s29] =	ssyncset.done $0x0  }
0x87: {  	[sflag:s29] =	ssyncadd.s32 $0xFFFFF000  }
0x88: {  	_ =	swait.ge [sflag:s30], $0x1000  }
0x89: {  	[sflag:s30] =	ssyncset.done $0x0  }
0x8a: {  	s0 =	sadd.s32 $0x1, s0;
	[sflag:s30] =	ssyncadd.s32 $0xFFFFF000  }
0x8b: {  	p0 =	sne.s32 s0, s6;
	_ =	swait.ge [sflag:s31], $0x1000  }
.Ltmp2:
0x8c: {  	[sflag:s31] =	ssyncset.done $0x0;
	(pc) =	sbr.rel @p0 .LBB2_1-.Ltmp2, $4  }
0x8d: {  	[sflag:s31] =	ssyncadd.s32 $0xFFFFF000  }
0x8e: {  	_ =	swait.ge [sflag:s1], $0x1000  }
0x8f: {  	[sflag:s1] =	ssyncset.done $0x0  }
0x90: {  	[sflag:s1] =	ssyncadd.s32 $0xFFFFF000  }
0x91: {  	_ =	sfence.sel $0x180000  }
0x92: {  	[bflag:$0x0] =	sbarrier.arrive $0xFFFF  }
0x93: {  	_ =	strace $0x90000047  }
0x94: {  	s0 =	stileid.u32;
	[bflag:$0x2] =	sbarrier.arrive $0xFFFF  }
0x95: {  	p0 =	sne.s32 s0, $0x0;
	s0 =	rddreg [dreg:$0x2]  }
0x96: {  	s0 =	sadd.s32 @!p0 $0x100000, s0  }
0x97: {  	[sflag:s0] =	ssyncadd.tile.s32 @!p0 $0x1;
	_ =	shalt  }
.Lfunc_end2:
_tile_overlayer_lowered:
.L_overlay_start_2:
0x98: {  	(tag) =	ssettag $0x2  }
0x99: {  	s0 =	rddreg [dreg:$0x0];
	s2 =	stileid.u32  }
0x9a: {  	s1 =	rddreg [dreg:$0x1];
	p0 =	sne.s32 s2, $0x0  }
0x9b: {  	s3 =	rddreg [dreg:$0x2];
	[bflag:$0x3] =	sbarrier.arrive $0xFFFF;
	s2 =	simm.s32 @!p0 $0x1C11  }
0x9c: {  	[timem:s3], [sflag:s2] =	dma.local @!p0 [hbm:s0], s1  }
0x9d: {  	s0 =	simm.s32 @!p0 $0x11  }
0x9e: {  	_ =	swait.ge @!p0 [sflag:s0], s1  }
0x9f: {  	s1 =	ssub.s32 @!p0 $0x0, s1;
	[sflag:s0] =	ssyncset.done @!p0 $0x0  }
0xa0: {  	[sflag:s0] =	ssyncadd.s32 @!p0 s1  }
0xa1: {  	[bflag:$0x3] =	sbarrier.arrive $0xFFFF  }
0xa2: {  	_ =	shalt  }

</sc_bundles>
